<compile_context>
chip_gen: v7x
topology: tpu7x:2x2x1
jax: 0.10.2.dev20260603
libtpu: 0.0.44.dev20260713+nightly
codegen_flags: <defaults>
</compile_context>

<pallas_src>
import functools

import jax
import jax.numpy as jnp
from jax import lax
from jax.experimental import pallas as pl
from jax.experimental.pallas import tpu as pltpu
from jax.experimental.pallas import tpu_sc as plsc

NUM_EMBEDDINGS = 1000000
EMBEDDING_DIM = 32
BATCH = 16384
FIELDS = 26

_B = BATCH * FIELDS
_NW = 32
_CHUNK = 128
_CHUNKS_PER_W = _B // (_NW * _CHUNK)
_NBUF = 8


@functools.partial(
    pl.kernel,
    out_type=jax.ShapeDtypeStruct((_B, EMBEDDING_DIM), jnp.float32),
    mesh=plsc.VectorSubcoreMesh(core_axis_name="c", subcore_axis_name="s"),
    scratch_types=[
        pltpu.VMEM((_CHUNKS_PER_W, _CHUNK), jnp.int32),
        pltpu.VMEM((_NBUF, _CHUNK, EMBEDDING_DIM), jnp.float32),
        [pltpu.SemaphoreType.DMA] * _NBUF,
        [pltpu.SemaphoreType.DMA] * _NBUF,
    ],
    compiler_params=pltpu.CompilerParams(use_tc_tiling_on_sc=False),
)
def _gather_kernel(idx_hbm, table_hbm, out_hbm, idx_v, rows_v, gsems, wsems):
    wid = lax.axis_index("s") * 2 + lax.axis_index("c")
    chunk_base = wid * _CHUNKS_PER_W
    pltpu.sync_copy(idx_hbm.at[pl.ds(chunk_base, _CHUNKS_PER_W)], idx_v)

    def gather(j, b):
        return pltpu.make_async_copy(
            table_hbm.at[idx_v.at[j]], rows_v.at[b], gsems[b]
        )

    def writeback(j, b):
        row0 = (chunk_base + j) * _CHUNK
        return pltpu.make_async_copy(
            rows_v.at[b], out_hbm.at[pl.ds(row0, _CHUNK)], wsems[b]
        )

    for b in range(_NBUF):
        gather(b, b).start()

    def body(g, _):
        for b in range(_NBUF):
            j = g * _NBUF + b
            gather(j, b).wait()
            writeback(j, b).start()
        for b in range(_NBUF):
            j = g * _NBUF + b
            writeback(j, b).wait()

            @pl.when(j + _NBUF < _CHUNKS_PER_W)
            def _():
                gather(j + _NBUF, b).start()

        return 0

    lax.fori_loop(0, _CHUNKS_PER_W // _NBUF, body, 0)


_TCOLS = 16384
_TROWS = _TCOLS * EMBEDDING_DIM // 128
_TGRID = (NUM_EMBEDDINGS + _TCOLS - 1) // _TCOLS
_TPAD_ROWS = _TGRID * _TCOLS


def _linearize_body(wt_ref, o_ref):
    xt = wt_ref[...].T
    xt4 = xt.reshape(_TROWS, 4, EMBEDDING_DIM)
    for a in range(4):
        o_ref[0, :, 32 * a:32 * (a + 1)] = xt4[:, a, :]


def _linearize(wt):
    return pl.pallas_call(
        _linearize_body,
        grid=(_TGRID,),
        in_specs=[pl.BlockSpec((EMBEDDING_DIM, _TCOLS), lambda i: (0, i))],
        out_specs=pl.BlockSpec((1, _TROWS, 128), lambda i: (i, 0, 0)),
        out_shape=jax.ShapeDtypeStruct((_TGRID, _TROWS, 128), jnp.float32),
    )(wt)


def kernel(x, weight):
    idx = x.reshape(_NW * _CHUNKS_PER_W, _CHUNK).astype(jnp.int32)
    lin3 = _linearize(weight.T)
    table = lin3.reshape(_TPAD_ROWS, EMBEDDING_DIM)
    out = _gather_kernel(idx, table)
    return out.reshape(BATCH, FIELDS, EMBEDDING_DIM)

# --- scband reference (transcript-rebuilt; emitter-appended) ---
"""Pipeline reference for scband-learnable-embeddings-83665962926207 (READ-ONLY COPY).

The authoritative reference and input builder live on the scoring server;
editing this copy changes nothing except your own understanding.
"""

import jax, jax.numpy as jnp
import numpy as np

NUM_EMBEDDINGS = 1000000
EMBEDDING_DIM = 32
BATCH = 16384
FIELDS = 26

def setup_inputs(seed: int = 0) -> dict:
    key = jax.random.key(seed)
    k_idx, k_w = jax.random.split(key)
    x = jax.random.randint(k_idx, (BATCH, FIELDS), 0, NUM_EMBEDDINGS, dtype=jnp.int64 if jax.config.jax_enable_x64 else jnp.int32)
    weight = jax.random.normal(k_w, (NUM_EMBEDDINGS, EMBEDDING_DIM), dtype=jnp.float32)
    return {"x": x, "weight": weight}

def reference(x, weight):
    # nn.Embedding forward: gather rows of the table by index
    embedded = jnp.take(weight, x, axis=0)
    return embedded

if __name__ == "__main__":
    import jax
    _d = setup_inputs()
    print(jax.jit(kernel)(*tuple(_d.values())))

</pallas_src>

<mosaic_0001>
#map = affine_map<(d0, d1) -> (0, 0)>
module attributes {stable_mosaic.version = 14 : i64} {
  func.func @_gather_kernel(%arg0: i32, %arg1: i32, %arg2: memref<3328x128xi32, #tpu.memory_space<hbm>>, %arg3: memref<1015808x32xf32, #tpu.memory_space<hbm>>, %arg4: memref<425984x32xf32, #tpu.memory_space<hbm>>, %arg5: memref<104x128xi32, #tpu.memory_space<vmem>>, %arg6: memref<8x128x32xf32, #tpu.memory_space<vmem>>, %arg7: memref<!tpu.dma_semaphore, #tpu.memory_space<semaphore_mem>>, %arg8: memref<!tpu.dma_semaphore, #tpu.memory_space<semaphore_mem>>, %arg9: memref<!tpu.dma_semaphore, #tpu.memory_space<semaphore_mem>>, %arg10: memref<!tpu.dma_semaphore, #tpu.memory_space<semaphore_mem>>, %arg11: memref<!tpu.dma_semaphore, #tpu.memory_space<semaphore_mem>>, %arg12: memref<!tpu.dma_semaphore, #tpu.memory_space<semaphore_mem>>, %arg13: memref<!tpu.dma_semaphore, #tpu.memory_space<semaphore_mem>>, %arg14: memref<!tpu.dma_semaphore, #tpu.memory_space<semaphore_mem>>, %arg15: memref<!tpu.dma_semaphore, #tpu.memory_space<semaphore_mem>>, %arg16: memref<!tpu.dma_semaphore, #tpu.memory_space<semaphore_mem>>, %arg17: memref<!tpu.dma_semaphore, #tpu.memory_space<semaphore_mem>>, %arg18: memref<!tpu.dma_semaphore, #tpu.memory_space<semaphore_mem>>, %arg19: memref<!tpu.dma_semaphore, #tpu.memory_space<semaphore_mem>>, %arg20: memref<!tpu.dma_semaphore, #tpu.memory_space<semaphore_mem>>, %arg21: memref<!tpu.dma_semaphore, #tpu.memory_space<semaphore_mem>>, %arg22: memref<!tpu.dma_semaphore, #tpu.memory_space<semaphore_mem>>) attributes {dimension_semantics = [#tpu.dimension_semantics<core_parallel>, #tpu.dimension_semantics<subcore_parallel>], iteration_bounds = array<i64: 2, 16>, scalar_prefetch = 0 : i64, scratch_operands = 18 : i64, tpu.core_type = #tpu.core_type<sc_vector_subcore>, window_params = [{transform_indices = #map}, {transform_indices = #map}, {transform_indices = #map}]} {
    %mul3A = arith.constant 2 : i32
    %mul3A_0 = arith.muli %arg1, %mul3A : i32
    %add3A = arith.addi %mul3A_0, %arg0 : i32
    %mul3A_1 = arith.constant 104 : i32
    %mul3A_2 = arith.muli %add3A, %mul3A_1 : i32
    "tpu.region"() ({
      %run_scoped3A = tpu.sem_alloc : memref<!tpu.dma_semaphore, #tpu.memory_space<semaphore_mem>>
      %dma_start3A_104 = arith.constant 0 : i32
      %dma_start3A_105 = tpu.memref_slice %arg2[%mul3A_2, %dma_start3A_104] : memref<3328x128xi32, #tpu.memory_space<hbm>> -> memref<104x128xi32, #tpu.memory_space<hbm>>
      %dma_start3A_106 = arith.constant 0 : i32
      %dma_start3A_107 = tpu.memref_slice %arg2[%mul3A_2, %dma_start3A_106] : memref<3328x128xi32, #tpu.memory_space<hbm>> -> memref<104x128xi32, #tpu.memory_space<hbm>>
      tpu.enqueue_dma source(%dma_start3A_107 : memref<104x128xi32, #tpu.memory_space<hbm>>) target(%arg5 : memref<104x128xi32, #tpu.memory_space<vmem>>) target_semaphore(%run_scoped3A : memref<!tpu.dma_semaphore, #tpu.memory_space<semaphore_mem>>)
      %dma_wait3A = arith.constant 0 : i32
      %dma_wait3A_108 = tpu.memref_slice %arg2[%mul3A_2, %dma_wait3A] : memref<3328x128xi32, #tpu.memory_space<hbm>> -> memref<104x128xi32, #tpu.memory_space<hbm>>
      %dma_wait3A_109 = arith.constant 0 : i32
      %dma_wait3A_110 = tpu.memref_slice %arg2[%mul3A_2, %dma_wait3A_109] : memref<3328x128xi32, #tpu.memory_space<hbm>> -> memref<104x128xi32, #tpu.memory_space<hbm>>
      tpu.wait_dma2 semaphore(%run_scoped3A : memref<!tpu.dma_semaphore, #tpu.memory_space<semaphore_mem>>) src(%dma_wait3A_110 : memref<104x128xi32, #tpu.memory_space<hbm>>) dst(%arg5 : memref<104x128xi32, #tpu.memory_space<vmem>>)
      tpu.yield
    }) : () -> ()
    %dma_start3A = arith.constant 0 : i32
    %dma_start3A_3 = arith.constant 0 : i32
    %dma_start3A_4 = arith.constant 0 : i32
    %dma_start3A_5 = arith.constant 0 : i32
    %dma_start3A_6 = tpu.memref_slice %arg6[%dma_start3A_3, %dma_start3A_4, %dma_start3A_5] : memref<8x128x32xf32, #tpu.memory_space<vmem>> -> memref<1x128x32xf32, #tpu.memory_space<vmem>>
    %dma_start3A_7 = tpu.memref_squeeze %dma_start3A_6 : memref<1x128x32xf32, #tpu.memory_space<vmem>> -> memref<128x32xf32, #tpu.memory_space<vmem>>
    %dma_start3A_8 = arith.constant 0 : i32
    %dma_start3A_9 = tpu.memref_slice %arg5[%dma_start3A, %dma_start3A_8] : memref<104x128xi32, #tpu.memory_space<vmem>> -> memref<1x128xi32, #tpu.memory_space<vmem>>
    %dma_start3A_10 = tpu.memref_squeeze %dma_start3A_9 : memref<1x128xi32, #tpu.memory_space<vmem>> -> memref<128xi32, #tpu.memory_space<vmem>>
    %dma_start3A_11 = arith.constant 0 : i32
    %dma_start3A_12 = arith.constant 0 : i32
    %dma_start3A_13 = tpu.memref_slice %arg3[%dma_start3A_11, %dma_start3A_12] : memref<1015808x32xf32, #tpu.memory_space<hbm>> -> memref<1015808x32xf32, #tpu.memory_space<hbm>>
    tpu.enqueue_indirect_dma source(%dma_start3A_13 : memref<1015808x32xf32, #tpu.memory_space<hbm>>) target(%dma_start3A_7 : memref<128x32xf32, #tpu.memory_space<vmem>>) offsets(%dma_start3A_10 : memref<128xi32, #tpu.memory_space<vmem>>) semaphore(%arg7 : memref<!tpu.dma_semaphore, #tpu.memory_space<semaphore_mem>>)
    %dma_start3A_14 = arith.constant 1 : i32
    %dma_start3A_15 = arith.constant 1 : i32
    %dma_start3A_16 = arith.constant 0 : i32
    %dma_start3A_17 = arith.constant 0 : i32
    %dma_start3A_18 = tpu.memref_slice %arg6[%dma_start3A_15, %dma_start3A_16, %dma_start3A_17] : memref<8x128x32xf32, #tpu.memory_space<vmem>> -> memref<1x128x32xf32, #tpu.memory_space<vmem>>
    %dma_start3A_19 = tpu.memref_squeeze %dma_start3A_18 : memref<1x128x32xf32, #tpu.memory_space<vmem>> -> memref<128x32xf32, #tpu.memory_space<vmem>>
    %dma_start3A_20 = arith.constant 0 : i32
    %dma_start3A_21 = tpu.memref_slice %arg5[%dma_start3A_14, %dma_start3A_20] : memref<104x128xi32, #tpu.memory_space<vmem>> -> memref<1x128xi32, #tpu.memory_space<vmem>>
    %dma_start3A_22 = tpu.memref_squeeze %dma_start3A_21 : memref<1x128xi32, #tpu.memory_space<vmem>> -> memref<128xi32, #tpu.memory_space<vmem>>
    %dma_start3A_23 = arith.constant 0 : i32
    %dma_start3A_24 = arith.constant 0 : i32
    %dma_start3A_25 = tpu.memref_slice %arg3[%dma_start3A_23, %dma_start3A_24] : memref<1015808x32xf32, #tpu.memory_space<hbm>> -> memref<1015808x32xf32, #tpu.memory_space<hbm>>
    tpu.enqueue_indirect_dma source(%dma_start3A_25 : memref<1015808x32xf32, #tpu.memory_space<hbm>>) target(%dma_start3A_19 : memref<128x32xf32, #tpu.memory_space<vmem>>) offsets(%dma_start3A_22 : memref<128xi32, #tpu.memory_space<vmem>>) semaphore(%arg8 : memref<!tpu.dma_semaphore, #tpu.memory_space<semaphore_mem>>)
    %dma_start3A_26 = arith.constant 2 : i32
    %dma_start3A_27 = arith.constant 2 : i32
    %dma_start3A_28 = arith.constant 0 : i32
    %dma_start3A_29 = arith.constant 0 : i32
    %dma_start3A_30 = tpu.memref_slice %arg6[%dma_start3A_27, %dma_start3A_28, %dma_start3A_29] : memref<8x128x32xf32, #tpu.memory_space<vmem>> -> memref<1x128x32xf32, #tpu.memory_space<vmem>>
    %dma_start3A_31 = tpu.memref_squeeze %dma_start3A_30 : memref<1x128x32xf32, #tpu.memory_space<vmem>> -> memref<128x32xf32, #tpu.memory_space<vmem>>
    %dma_start3A_32 = arith.constant 0 : i32
    %dma_start3A_33 = tpu.memref_slice %arg5[%dma_start3A_26, %dma_start3A_32] : memref<104x128xi32, #tpu.memory_space<vmem>> -> memref<1x128xi32, #tpu.memory_space<vmem>>
    %dma_start3A_34 = tpu.memref_squeeze %dma_start3A_33 : memref<1x128xi32, #tpu.memory_space<vmem>> -> memref<128xi32, #tpu.memory_space<vmem>>
    %dma_start3A_35 = arith.constant 0 : i32
    %dma_start3A_36 = arith.constant 0 : i32
    %dma_start3A_37 = tpu.memref_slice %arg3[%dma_start3A_35, %dma_start3A_36] : memref<1015808x32xf32, #tpu.memory_space<hbm>> -> memref<1015808x32xf32, #tpu.memory_space<hbm>>
    tpu.enqueue_indirect_dma source(%dma_start3A_37 : memref<1015808x32xf32, #tpu.memory_space<hbm>>) target(%dma_start3A_31 : memref<128x32xf32, #tpu.memory_space<vmem>>) offsets(%dma_start3A_34 : memref<128xi32, #tpu.memory_space<vmem>>) semaphore(%arg9 : memref<!tpu.dma_semaphore, #tpu.memory_space<semaphore_mem>>)
    %dma_start3A_38 = arith.constant 3 : i32
    %dma_start3A_39 = arith.constant 3 : i32
    %dma_start3A_40 = arith.constant 0 : i32
    %dma_start3A_41 = arith.constant 0 : i32
    %dma_start3A_42 = tpu.memref_slice %arg6[%dma_start3A_39, %dma_start3A_40, %dma_start3A_41] : memref<8x128x32xf32, #tpu.memory_space<vmem>> -> memref<1x128x32xf32, #tpu.memory_space<vmem>>
    %dma_start3A_43 = tpu.memref_squeeze %dma_start3A_42 : memref<1x128x32xf32, #tpu.memory_space<vmem>> -> memref<128x32xf32, #tpu.memory_space<vmem>>
    %dma_start3A_44 = arith.constant 0 : i32
    %dma_start3A_45 = tpu.memref_slice %arg5[%dma_start3A_38, %dma_start3A_44] : memref<104x128xi32, #tpu.memory_space<vmem>> -> memref<1x128xi32, #tpu.memory_space<vmem>>
    %dma_start3A_46 = tpu.memref_squeeze %dma_start3A_45 : memref<1x128xi32, #tpu.memory_space<vmem>> -> memref<128xi32, #tpu.memory_space<vmem>>
    %dma_start3A_47 = arith.constant 0 : i32
    %dma_start3A_48 = arith.constant 0 : i32
    %dma_start3A_49 = tpu.memref_slice %arg3[%dma_start3A_47, %dma_start3A_48] : memref<1015808x32xf32, #tpu.memory_space<hbm>> -> memref<1015808x32xf32, #tpu.memory_space<hbm>>
    tpu.enqueue_indirect_dma source(%dma_start3A_49 : memref<1015808x32xf32, #tpu.memory_space<hbm>>) target(%dma_start3A_43 : memref<128x32xf32, #tpu.memory_space<vmem>>) offsets(%dma_start3A_46 : memref<128xi32, #tpu.memory_space<vmem>>) semaphore(%arg10 : memref<!tpu.dma_semaphore, #tpu.memory_space<semaphore_mem>>)
    %dma_start3A_50 = arith.constant 4 : i32
    %dma_start3A_51 = arith.constant 4 : i32
    %dma_start3A_52 = arith.constant 0 : i32
    %dma_start3A_53 = arith.constant 0 : i32
    %dma_start3A_54 = tpu.memref_slice %arg6[%dma_start3A_51, %dma_start3A_52, %dma_start3A_53] : memref<8x128x32xf32, #tpu.memory_space<vmem>> -> memref<1x128x32xf32, #tpu.memory_space<vmem>>
    %dma_start3A_55 = tpu.memref_squeeze %dma_start3A_54 : memref<1x128x32xf32, #tpu.memory_space<vmem>> -> memref<128x32xf32, #tpu.memory_space<vmem>>
    %dma_start3A_56 = arith.constant 0 : i32
    %dma_start3A_57 = tpu.memref_slice %arg5[%dma_start3A_50, %dma_start3A_56] : memref<104x128xi32, #tpu.memory_space<vmem>> -> memref<1x128xi32, #tpu.memory_space<vmem>>
    %dma_start3A_58 = tpu.memref_squeeze %dma_start3A_57 : memref<1x128xi32, #tpu.memory_space<vmem>> -> memref<128xi32, #tpu.memory_space<vmem>>
    %dma_start3A_59 = arith.constant 0 : i32
    %dma_start3A_60 = arith.constant 0 : i32
    %dma_start3A_61 = tpu.memref_slice %arg3[%dma_start3A_59, %dma_start3A_60] : memref<1015808x32xf32, #tpu.memory_space<hbm>> -> memref<1015808x32xf32, #tpu.memory_space<hbm>>
    tpu.enqueue_indirect_dma source(%dma_start3A_61 : memref<1015808x32xf32, #tpu.memory_space<hbm>>) target(%dma_start3A_55 : memref<128x32xf32, #tpu.memory_space<vmem>>) offsets(%dma_start3A_58 : memref<128xi32, #tpu.memory_space<vmem>>) semaphore(%arg11 : memref<!tpu.dma_semaphore, #tpu.memory_space<semaphore_mem>>)
    %dma_start3A_62 = arith.constant 5 : i32
    %dma_start3A_63 = arith.constant 5 : i32
    %dma_start3A_64 = arith.constant 0 : i32
    %dma_start3A_65 = arith.constant 0 : i32
    %dma_start3A_66 = tpu.memref_slice %arg6[%dma_start3A_63, %dma_start3A_64, %dma_start3A_65] : memref<8x128x32xf32, #tpu.memory_space<vmem>> -> memref<1x128x32xf32, #tpu.memory_space<vmem>>
    %dma_start3A_67 = tpu.memref_squeeze %dma_start3A_66 : memref<1x128x32xf32, #tpu.memory_space<vmem>> -> memref<128x32xf32, #tpu.memory_space<vmem>>
    %dma_start3A_68 = arith.constant 0 : i32
    %dma_start3A_69 = tpu.memref_slice %arg5[%dma_start3A_62, %dma_start3A_68] : memref<104x128xi32, #tpu.memory_space<vmem>> -> memref<1x128xi32, #tpu.memory_space<vmem>>
    %dma_start3A_70 = tpu.memref_squeeze %dma_start3A_69 : memref<1x128xi32, #tpu.memory_space<vmem>> -> memref<128xi32, #tpu.memory_space<vmem>>
    %dma_start3A_71 = arith.constant 0 : i32
    %dma_start3A_72 = arith.constant 0 : i32
    %dma_start3A_73 = tpu.memref_slice %arg3[%dma_start3A_71, %dma_start3A_72] : memref<1015808x32xf32, #tpu.memory_space<hbm>> -> memref<1015808x32xf32, #tpu.memory_space<hbm>>
    tpu.enqueue_indirect_dma source(%dma_start3A_73 : memref<1015808x32xf32, #tpu.memory_space<hbm>>) target(%dma_start3A_67 : memref<128x32xf32, #tpu.memory_space<vmem>>) offsets(%dma_start3A_70 : memref<128xi32, #tpu.memory_space<vmem>>) semaphore(%arg12 : memref<!tpu.dma_semaphore, #tpu.memory_space<semaphore_mem>>)
    %dma_start3A_74 = arith.constant 6 : i32
    %dma_start3A_75 = arith.constant 6 : i32
    %dma_start3A_76 = arith.constant 0 : i32
    %dma_start3A_77 = arith.constant 0 : i32
    %dma_start3A_78 = tpu.memref_slice %arg6[%dma_start3A_75, %dma_start3A_76, %dma_start3A_77] : memref<8x128x32xf32, #tpu.memory_space<vmem>> -> memref<1x128x32xf32, #tpu.memory_space<vmem>>
    %dma_start3A_79 = tpu.memref_squeeze %dma_start3A_78 : memref<1x128x32xf32, #tpu.memory_space<vmem>> -> memref<128x32xf32, #tpu.memory_space<vmem>>
    %dma_start3A_80 = arith.constant 0 : i32
    %dma_start3A_81 = tpu.memref_slice %arg5[%dma_start3A_74, %dma_start3A_80] : memref<104x128xi32, #tpu.memory_space<vmem>> -> memref<1x128xi32, #tpu.memory_space<vmem>>
    %dma_start3A_82 = tpu.memref_squeeze %dma_start3A_81 : memref<1x128xi32, #tpu.memory_space<vmem>> -> memref<128xi32, #tpu.memory_space<vmem>>
    %dma_start3A_83 = arith.constant 0 : i32
    %dma_start3A_84 = arith.constant 0 : i32
    %dma_start3A_85 = tpu.memref_slice %arg3[%dma_start3A_83, %dma_start3A_84] : memref<1015808x32xf32, #tpu.memory_space<hbm>> -> memref<1015808x32xf32, #tpu.memory_space<hbm>>
    tpu.enqueue_indirect_dma source(%dma_start3A_85 : memref<1015808x32xf32, #tpu.memory_space<hbm>>) target(%dma_start3A_79 : memref<128x32xf32, #tpu.memory_space<vmem>>) offsets(%dma_start3A_82 : memref<128xi32, #tpu.memory_space<vmem>>) semaphore(%arg13 : memref<!tpu.dma_semaphore, #tpu.memory_space<semaphore_mem>>)
    %dma_start3A_86 = arith.constant 7 : i32
    %dma_start3A_87 = arith.constant 7 : i32
    %dma_start3A_88 = arith.constant 0 : i32
    %dma_start3A_89 = arith.constant 0 : i32
    %dma_start3A_90 = tpu.memref_slice %arg6[%dma_start3A_87, %dma_start3A_88, %dma_start3A_89] : memref<8x128x32xf32, #tpu.memory_space<vmem>> -> memref<1x128x32xf32, #tpu.memory_space<vmem>>
    %dma_start3A_91 = tpu.memref_squeeze %dma_start3A_90 : memref<1x128x32xf32, #tpu.memory_space<vmem>> -> memref<128x32xf32, #tpu.memory_space<vmem>>
    %dma_start3A_92 = arith.constant 0 : i32
    %dma_start3A_93 = tpu.memref_slice %arg5[%dma_start3A_86, %dma_start3A_92] : memref<104x128xi32, #tpu.memory_space<vmem>> -> memref<1x128xi32, #tpu.memory_space<vmem>>
    %dma_start3A_94 = tpu.memref_squeeze %dma_start3A_93 : memref<1x128xi32, #tpu.memory_space<vmem>> -> memref<128xi32, #tpu.memory_space<vmem>>
    %dma_start3A_95 = arith.constant 0 : i32
    %dma_start3A_96 = arith.constant 0 : i32
    %dma_start3A_97 = tpu.memref_slice %arg3[%dma_start3A_95, %dma_start3A_96] : memref<1015808x32xf32, #tpu.memory_space<hbm>> -> memref<1015808x32xf32, #tpu.memory_space<hbm>>
    tpu.enqueue_indirect_dma source(%dma_start3A_97 : memref<1015808x32xf32, #tpu.memory_space<hbm>>) target(%dma_start3A_91 : memref<128x32xf32, #tpu.memory_space<vmem>>) offsets(%dma_start3A_94 : memref<128xi32, #tpu.memory_space<vmem>>) semaphore(%arg14 : memref<!tpu.dma_semaphore, #tpu.memory_space<semaphore_mem>>)
    %scan3A = arith.constant 0 : i32
    %scan3A_98 = arith.constant 0 : i32
    %scan3A_99 = arith.constant 13 : i32
    %scan3A_100 = arith.addi %scan3A_98, %scan3A_99 : i32
    %scan3A_101 = arith.constant 1 : i32
    %scan3A_102 = scf.for %scan3A_104 = %scan3A_98 to %scan3A_100 step %scan3A_101 iter_args(%scan3A_105 = %scan3A) -> (i32)  : i32 {
      %mul3A_106 = arith.constant 8 : i32
      %mul3A_107 = arith.muli %scan3A_104, %mul3A_106 : i32
      %add3A_108 = arith.constant 0 : i32
      %add3A_109 = arith.addi %mul3A_107, %add3A_108 : i32
      %dma_wait3A = arith.constant 0 : i32
      %dma_wait3A_110 = arith.constant 0 : i32
      %dma_wait3A_111 = arith.constant 0 : i32
      %dma_wait3A_112 = tpu.memref_slice %arg6[%dma_wait3A, %dma_wait3A_110, %dma_wait3A_111] : memref<8x128x32xf32, #tpu.memory_space<vmem>> -> memref<1x128x32xf32, #tpu.memory_space<vmem>>
      %dma_wait3A_113 = tpu.memref_squeeze %dma_wait3A_112 : memref<1x128x32xf32, #tpu.memory_space<vmem>> -> memref<128x32xf32, #tpu.memory_space<vmem>>
      %dma_wait3A_114 = arith.constant 0 : i32
      %dma_wait3A_115 = tpu.memref_slice %arg5[%add3A_109, %dma_wait3A_114] : memref<104x128xi32, #tpu.memory_space<vmem>> -> memref<1x128xi32, #tpu.memory_space<vmem>>
      %dma_wait3A_116 = tpu.memref_squeeze %dma_wait3A_115 : memref<1x128xi32, #tpu.memory_space<vmem>> -> memref<128xi32, #tpu.memory_space<vmem>>
      %dma_wait3A_117 = arith.constant 0 : i32
      %dma_wait3A_118 = arith.constant 0 : i32
      %dma_wait3A_119 = tpu.memref_slice %arg3[%dma_wait3A_117, %dma_wait3A_118] : memref<1015808x32xf32, #tpu.memory_space<hbm>> -> memref<1015808x32xf32, #tpu.memory_space<hbm>>
      tpu.wait_indirect_dma semaphore(%arg7 : memref<!tpu.dma_semaphore, #tpu.memory_space<semaphore_mem>>) src(%dma_wait3A_119 : memref<1015808x32xf32, #tpu.memory_space<hbm>>) dst(%dma_wait3A_113 : memref<128x32xf32, #tpu.memory_space<vmem>>)
      %add3A_120 = arith.addi %mul3A_2, %add3A_109 : i32
      %mul3A_121 = arith.constant 128 : i32
      %mul3A_122 = arith.muli %add3A_120, %mul3A_121 : i32
      %dma_start3A_123 = arith.constant 0 : i32
      %dma_start3A_124 = arith.constant 0 : i32
      %dma_start3A_125 = arith.constant 0 : i32
      %dma_start3A_126 = tpu.memref_slice %arg6[%dma_start3A_123, %dma_start3A_124, %dma_start3A_125] : memref<8x128x32xf32, #tpu.memory_space<vmem>> -> memref<1x128x32xf32, #tpu.memory_space<vmem>>
      %dma_start3A_127 = tpu.memref_squeeze %dma_start3A_126 : memref<1x128x32xf32, #tpu.memory_space<vmem>> -> memref<128x32xf32, #tpu.memory_space<vmem>>
      %dma_start3A_128 = arith.constant 0 : i32
      %dma_start3A_129 = tpu.memref_slice %arg4[%mul3A_122, %dma_start3A_128] : memref<425984x32xf32, #tpu.memory_space<hbm>> -> memref<128x32xf32, #tpu.memory_space<hbm>>
      %dma_start3A_130 = arith.constant 0 : i32
      %dma_start3A_131 = tpu.memref_slice %arg4[%mul3A_122, %dma_start3A_130] : memref<425984x32xf32, #tpu.memory_space<hbm>> -> memref<128x32xf32, #tpu.memory_space<hbm>>
      %dma_start3A_132 = arith.constant 0 : i32
      %dma_start3A_133 = arith.constant 0 : i32
      %dma_start3A_134 = tpu.memref_slice %arg6[%dma_start3A_123, %dma_start3A_132, %dma_start3A_133] : memref<8x128x32xf32, #tpu.memory_space<vmem>> -> memref<1x128x32xf32, #tpu.memory_space<vmem>>
      %dma_start3A_135 = tpu.memref_squeeze %dma_start3A_134 : memref<1x128x32xf32, #tpu.memory_space<vmem>> -> memref<128x32xf32, #tpu.memory_space<vmem>>
      tpu.enqueue_dma source(%dma_start3A_135 : memref<128x32xf32, #tpu.memory_space<vmem>>) target(%dma_start3A_131 : memref<128x32xf32, #tpu.memory_space<hbm>>) target_semaphore(%arg15 : memref<!tpu.dma_semaphore, #tpu.memory_space<semaphore_mem>>)
      %mul3A_136 = arith.constant 8 : i32
      %mul3A_137 = arith.muli %scan3A_104, %mul3A_136 : i32
      %add3A_138 = arith.constant 1 : i32
      %add3A_139 = arith.addi %mul3A_137, %add3A_138 : i32
      %dma_wait3A_140 = arith.constant 1 : i32
      %dma_wait3A_141 = arith.constant 0 : i32
      %dma_wait3A_142 = arith.constant 0 : i32
      %dma_wait3A_143 = tpu.memref_slice %arg6[%dma_wait3A_140, %dma_wait3A_141, %dma_wait3A_142] : memref<8x128x32xf32, #tpu.memory_space<vmem>> -> memref<1x128x32xf32, #tpu.memory_space<vmem>>
      %dma_wait3A_144 = tpu.memref_squeeze %dma_wait3A_143 : memref<1x128x32xf32, #tpu.memory_space<vmem>> -> memref<128x32xf32, #tpu.memory_space<vmem>>
      %dma_wait3A_145 = arith.constant 0 : i32
      %dma_wait3A_146 = tpu.memref_slice %arg5[%add3A_139, %dma_wait3A_145] : memref<104x128xi32, #tpu.memory_space<vmem>> -> memref<1x128xi32, #tpu.memory_space<vmem>>
      %dma_wait3A_147 = tpu.memref_squeeze %dma_wait3A_146 : memref<1x128xi32, #tpu.memory_space<vmem>> -> memref<128xi32, #tpu.memory_space<vmem>>
      %dma_wait3A_148 = arith.constant 0 : i32
      %dma_wait3A_149 = arith.constant 0 : i32
      %dma_wait3A_150 = tpu.memref_slice %arg3[%dma_wait3A_148, %dma_wait3A_149] : memref<1015808x32xf32, #tpu.memory_space<hbm>> -> memref<1015808x32xf32, #tpu.memory_space<hbm>>
      tpu.wait_indirect_dma semaphore(%arg8 : memref<!tpu.dma_semaphore, #tpu.memory_space<semaphore_mem>>) src(%dma_wait3A_150 : memref<1015808x32xf32, #tpu.memory_space<hbm>>) dst(%dma_wait3A_144 : memref<128x32xf32, #tpu.memory_space<vmem>>)
      %add3A_151 = arith.addi %mul3A_2, %add3A_139 : i32
      %mul3A_152 = arith.constant 128 : i32
      %mul3A_153 = arith.muli %add3A_151, %mul3A_152 : i32
      %dma_start3A_154 = arith.constant 1 : i32
      %dma_start3A_155 = arith.constant 0 : i32
      %dma_start3A_156 = arith.constant 0 : i32
      %dma_start3A_157 = tpu.memref_slice %arg6[%dma_start3A_154, %dma_start3A_155, %dma_start3A_156] : memref<8x128x32xf32, #tpu.memory_space<vmem>> -> memref<1x128x32xf32, #tpu.memory_space<vmem>>
      %dma_start3A_158 = tpu.memref_squeeze %dma_start3A_157 : memref<1x128x32xf32, #tpu.memory_space<vmem>> -> memref<128x32xf32, #tpu.memory_space<vmem>>
      %dma_start3A_159 = arith.constant 0 : i32
      %dma_start3A_160 = tpu.memref_slice %arg4[%mul3A_153, %dma_start3A_159] : memref<425984x32xf32, #tpu.memory_space<hbm>> -> memref<128x32xf32, #tpu.memory_space<hbm>>
      %dma_start3A_161 = arith.constant 0 : i32
      %dma_start3A_162 = tpu.memref_slice %arg4[%mul3A_153, %dma_start3A_161] : memref<425984x32xf32, #tpu.memory_space<hbm>> -> memref<128x32xf32, #tpu.memory_space<hbm>>
      %dma_start3A_163 = arith.constant 0 : i32
      %dma_start3A_164 = arith.constant 0 : i32
      %dma_start3A_165 = tpu.memref_slice %arg6[%dma_start3A_154, %dma_start3A_163, %dma_start3A_164] : memref<8x128x32xf32, #tpu.memory_space<vmem>> -> memref<1x128x32xf32, #tpu.memory_space<vmem>>
      %dma_start3A_166 = tpu.memref_squeeze %dma_start3A_165 : memref<1x128x32xf32, #tpu.memory_space<vmem>> -> memref<128x32xf32, #tpu.memory_space<vmem>>
      tpu.enqueue_dma source(%dma_start3A_166 : memref<128x32xf32, #tpu.memory_space<vmem>>) target(%dma_start3A_162 : memref<128x32xf32, #tpu.memory_space<hbm>>) target_semaphore(%arg16 : memref<!tpu.dma_semaphore, #tpu.memory_space<semaphore_mem>>)
      %mul3A_167 = arith.constant 8 : i32
      %mul3A_168 = arith.muli %scan3A_104, %mul3A_167 : i32
      %add3A_169 = arith.constant 2 : i32
      %add3A_170 = arith.addi %mul3A_168, %add3A_169 : i32
      %dma_wait3A_171 = arith.constant 2 : i32
      %dma_wait3A_172 = arith.constant 0 : i32
      %dma_wait3A_173 = arith.constant 0 : i32
      %dma_wait3A_174 = tpu.memref_slice %arg6[%dma_wait3A_171, %dma_wait3A_172, %dma_wait3A_173] : memref<8x128x32xf32, #tpu.memory_space<vmem>> -> memref<1x128x32xf32, #tpu.memory_space<vmem>>
      %dma_wait3A_175 = tpu.memref_squeeze %dma_wait3A_174 : memref<1x128x32xf32, #tpu.memory_space<vmem>> -> memref<128x32xf32, #tpu.memory_space<vmem>>
      %dma_wait3A_176 = arith.constant 0 : i32
      %dma_wait3A_177 = tpu.memref_slice %arg5[%add3A_170, %dma_wait3A_176] : memref<104x128xi32, #tpu.memory_space<vmem>> -> memref<1x128xi32, #tpu.memory_space<vmem>>
      %dma_wait3A_178 = tpu.memref_squeeze %dma_wait3A_177 : memref<1x128xi32, #tpu.memory_space<vmem>> -> memref<128xi32, #tpu.memory_space<vmem>>
      %dma_wait3A_179 = arith.constant 0 : i32
      %dma_wait3A_180 = arith.constant 0 : i32
      %dma_wait3A_181 = tpu.memref_slice %arg3[%dma_wait3A_179, %dma_wait3A_180] : memref<1015808x32xf32, #tpu.memory_space<hbm>> -> memref<1015808x32xf32, #tpu.memory_space<hbm>>
      tpu.wait_indirect_dma semaphore(%arg9 : memref<!tpu.dma_semaphore, #tpu.memory_space<semaphore_mem>>) src(%dma_wait3A_181 : memref<1015808x32xf32, #tpu.memory_space<hbm>>) dst(%dma_wait3A_175 : memref<128x32xf32, #tpu.memory_space<vmem>>)
      %add3A_182 = arith.addi %mul3A_2, %add3A_170 : i32
      %mul3A_183 = arith.constant 128 : i32
      %mul3A_184 = arith.muli %add3A_182, %mul3A_183 : i32
      %dma_start3A_185 = arith.constant 2 : i32
      %dma_start3A_186 = arith.constant 0 : i32
      %dma_start3A_187 = arith.constant 0 : i32
      %dma_start3A_188 = tpu.memref_slice %arg6[%dma_start3A_185, %dma_start3A_186, %dma_start3A_187] : memref<8x128x32xf32, #tpu.memory_space<vmem>> -> memref<1x128x32xf32, #tpu.memory_space<vmem>>
      %dma_start3A_189 = tpu.memref_squeeze %dma_start3A_188 : memref<1x128x32xf32, #tpu.memory_space<vmem>> -> memref<128x32xf32, #tpu.memory_space<vmem>>
      %dma_start3A_190 = arith.constant 0 : i32
      %dma_start3A_191 = tpu.memref_slice %arg4[%mul3A_184, %dma_start3A_190] : memref<425984x32xf32, #tpu.memory_space<hbm>> -> memref<128x32xf32, #tpu.memory_space<hbm>>
      %dma_start3A_192 = arith.constant 0 : i32
      %dma_start3A_193 = tpu.memref_slice %arg4[%mul3A_184, %dma_start3A_192] : memref<425984x32xf32, #tpu.memory_space<hbm>> -> memref<128x32xf32, #tpu.memory_space<hbm>>
      %dma_start3A_194 = arith.constant 0 : i32
      %dma_start3A_195 = arith.constant 0 : i32
      %dma_start3A_196 = tpu.memref_slice %arg6[%dma_start3A_185, %dma_start3A_194, %dma_start3A_195] : memref<8x128x32xf32, #tpu.memory_space<vmem>> -> memref<1x128x32xf32, #tpu.memory_space<vmem>>
      %dma_start3A_197 = tpu.memref_squeeze %dma_start3A_196 : memref<1x128x32xf32, #tpu.memory_space<vmem>> -> memref<128x32xf32, #tpu.memory_space<vmem>>
      tpu.enqueue_dma source(%dma_start3A_197 : memref<128x32xf32, #tpu.memory_space<vmem>>) target(%dma_start3A_193 : memref<128x32xf32, #tpu.memory_space<hbm>>) target_semaphore(%arg17 : memref<!tpu.dma_semaphore, #tpu.memory_space<semaphore_mem>>)
      %mul3A_198 = arith.constant 8 : i32
      %mul3A_199 = arith.muli %scan3A_104, %mul3A_198 : i32
      %add3A_200 = arith.constant 3 : i32
      %add3A_201 = arith.addi %mul3A_199, %add3A_200 : i32
      %dma_wait3A_202 = arith.constant 3 : i32
      %dma_wait3A_203 = arith.constant 0 : i32
      %dma_wait3A_204 = arith.constant 0 : i32
      %dma_wait3A_205 = tpu.memref_slice %arg6[%dma_wait3A_202, %dma_wait3A_203, %dma_wait3A_204] : memref<8x128x32xf32, #tpu.memory_space<vmem>> -> memref<1x128x32xf32, #tpu.memory_space<vmem>>
      %dma_wait3A_206 = tpu.memref_squeeze %dma_wait3A_205 : memref<1x128x32xf32, #tpu.memory_space<vmem>> -> memref<128x32xf32, #tpu.memory_space<vmem>>
      %dma_wait3A_207 = arith.constant 0 : i32
      %dma_wait3A_208 = tpu.memref_slice %arg5[%add3A_201, %dma_wait3A_207] : memref<104x128xi32, #tpu.memory_space<vmem>> -> memref<1x128xi32, #tpu.memory_space<vmem>>
      %dma_wait3A_209 = tpu.memref_squeeze %dma_wait3A_208 : memref<1x128xi32, #tpu.memory_space<vmem>> -> memref<128xi32, #tpu.memory_space<vmem>>
      %dma_wait3A_210 = arith.constant 0 : i32
      %dma_wait3A_211 = arith.constant 0 : i32
      %dma_wait3A_212 = tpu.memref_slice %arg3[%dma_wait3A_210, %dma_wait3A_211] : memref<1015808x32xf32, #tpu.memory_space<hbm>> -> memref<1015808x32xf32, #tpu.memory_space<hbm>>
      tpu.wait_indirect_dma semaphore(%arg10 : memref<!tpu.dma_semaphore, #tpu.memory_space<semaphore_mem>>) src(%dma_wait3A_212 : memref<1015808x32xf32, #tpu.memory_space<hbm>>) dst(%dma_wait3A_206 : memref<128x32xf32, #tpu.memory_space<vmem>>)
      %add3A_213 = arith.addi %mul3A_2, %add3A_201 : i32
      %mul3A_214 = arith.constant 128 : i32
      %mul3A_215 = arith.muli %add3A_213, %mul3A_214 : i32
      %dma_start3A_216 = arith.constant 3 : i32
      %dma_start3A_217 = arith.constant 0 : i32
      %dma_start3A_218 = arith.constant 0 : i32
      %dma_start3A_219 = tpu.memref_slice %arg6[%dma_start3A_216, %dma_start3A_217, %dma_start3A_218] : memref<8x128x32xf32, #tpu.memory_space<vmem>> -> memref<1x128x32xf32, #tpu.memory_space<vmem>>
      %dma_start3A_220 = tpu.memref_squeeze %dma_start3A_219 : memref<1x128x32xf32, #tpu.memory_space<vmem>> -> memref<128x32xf32, #tpu.memory_space<vmem>>
      %dma_start3A_221 = arith.constant 0 : i32
      %dma_start3A_222 = tpu.memref_slice %arg4[%mul3A_215, %dma_start3A_221] : memref<425984x32xf32, #tpu.memory_space<hbm>> -> memref<128x32xf32, #tpu.memory_space<hbm>>
      %dma_start3A_223 = arith.constant 0 : i32
      %dma_start3A_224 = tpu.memref_slice %arg4[%mul3A_215, %dma_start3A_223] : memref<425984x32xf32, #tpu.memory_space<hbm>> -> memref<128x32xf32, #tpu.memory_space<hbm>>
      %dma_start3A_225 = arith.constant 0 : i32
      %dma_start3A_226 = arith.constant 0 : i32
      %dma_start3A_227 = tpu.memref_slice %arg6[%dma_start3A_216, %dma_start3A_225, %dma_start3A_226] : memref<8x128x32xf32, #tpu.memory_space<vmem>> -> memref<1x128x32xf32, #tpu.memory_space<vmem>>
      %dma_start3A_228 = tpu.memref_squeeze %dma_start3A_227 : memref<1x128x32xf32, #tpu.memory_space<vmem>> -> memref<128x32xf32, #tpu.memory_space<vmem>>
      tpu.enqueue_dma source(%dma_start3A_228 : memref<128x32xf32, #tpu.memory_space<vmem>>) target(%dma_start3A_224 : memref<128x32xf32, #tpu.memory_space<hbm>>) target_semaphore(%arg18 : memref<!tpu.dma_semaphore, #tpu.memory_space<semaphore_mem>>)
      %mul3A_229 = arith.constant 8 : i32
      %mul3A_230 = arith.muli %scan3A_104, %mul3A_229 : i32
      %add3A_231 = arith.constant 4 : i32
      %add3A_232 = arith.addi %mul3A_230, %add3A_231 : i32
      %dma_wait3A_233 = arith.constant 4 : i32
      %dma_wait3A_234 = arith.constant 0 : i32
      %dma_wait3A_235 = arith.constant 0 : i32
      %dma_wait3A_236 = tpu.memref_slice %arg6[%dma_wait3A_233, %dma_wait3A_234, %dma_wait3A_235] : memref<8x128x32xf32, #tpu.memory_space<vmem>> -> memref<1x128x32xf32, #tpu.memory_space<vmem>>
      %dma_wait3A_237 = tpu.memref_squeeze %dma_wait3A_236 : memref<1x128x32xf32, #tpu.memory_space<vmem>> -> memref<128x32xf32, #tpu.memory_space<vmem>>
      %dma_wait3A_238 = arith.constant 0 : i32
      %dma_wait3A_239 = tpu.memref_slice %arg5[%add3A_232, %dma_wait3A_238] : memref<104x128xi32, #tpu.memory_space<vmem>> -> memref<1x128xi32, #tpu.memory_space<vmem>>
      %dma_wait3A_240 = tpu.memref_squeeze %dma_wait3A_239 : memref<1x128xi32, #tpu.memory_space<vmem>> -> memref<128xi32, #tpu.memory_space<vmem>>
      %dma_wait3A_241 = arith.constant 0 : i32
      %dma_wait3A_242 = arith.constant 0 : i32
      %dma_wait3A_243 = tpu.memref_slice %arg3[%dma_wait3A_241, %dma_wait3A_242] : memref<1015808x32xf32, #tpu.memory_space<hbm>> -> memref<1015808x32xf32, #tpu.memory_space<hbm>>
      tpu.wait_indirect_dma semaphore(%arg11 : memref<!tpu.dma_semaphore, #tpu.memory_space<semaphore_mem>>) src(%dma_wait3A_243 : memref<1015808x32xf32, #tpu.memory_space<hbm>>) dst(%dma_wait3A_237 : memref<128x32xf32, #tpu.memory_space<vmem>>)
      %add3A_244 = arith.addi %mul3A_2, %add3A_232 : i32
      %mul3A_245 = arith.constant 128 : i32
      %mul3A_246 = arith.muli %add3A_244, %mul3A_245 : i32
      %dma_start3A_247 = arith.constant 4 : i32
      %dma_start3A_248 = arith.constant 0 : i32
      %dma_start3A_249 = arith.constant 0 : i32
      %dma_start3A_250 = tpu.memref_slice %arg6[%dma_start3A_247, %dma_start3A_248, %dma_start3A_249] : memref<8x128x32xf32, #tpu.memory_space<vmem>> -> memref<1x128x32xf32, #tpu.memory_space<vmem>>
      %dma_start3A_251 = tpu.memref_squeeze %dma_start3A_250 : memref<1x128x32xf32, #tpu.memory_space<vmem>> -> memref<128x32xf32, #tpu.memory_space<vmem>>
      %dma_start3A_252 = arith.constant 0 : i32
      %dma_start3A_253 = tpu.memref_slice %arg4[%mul3A_246, %dma_start3A_252] : memref<425984x32xf32, #tpu.memory_space<hbm>> -> memref<128x32xf32, #tpu.memory_space<hbm>>
      %dma_start3A_254 = arith.constant 0 : i32
      %dma_start3A_255 = tpu.memref_slice %arg4[%mul3A_246, %dma_start3A_254] : memref<425984x32xf32, #tpu.memory_space<hbm>> -> memref<128x32xf32, #tpu.memory_space<hbm>>
      %dma_start3A_256 = arith.constant 0 : i32
      %dma_start3A_257 = arith.constant 0 : i32
      %dma_start3A_258 = tpu.memref_slice %arg6[%dma_start3A_247, %dma_start3A_256, %dma_start3A_257] : memref<8x128x32xf32, #tpu.memory_space<vmem>> -> memref<1x128x32xf32, #tpu.memory_space<vmem>>
      %dma_start3A_259 = tpu.memref_squeeze %dma_start3A_258 : memref<1x128x32xf32, #tpu.memory_space<vmem>> -> memref<128x32xf32, #tpu.memory_space<vmem>>
      tpu.enqueue_dma source(%dma_start3A_259 : memref<128x32xf32, #tpu.memory_space<vmem>>) target(%dma_start3A_255 : memref<128x32xf32, #tpu.memory_space<hbm>>) target_semaphore(%arg19 : memref<!tpu.dma_semaphore, #tpu.memory_space<semaphore_mem>>)
      %mul3A_260 = arith.constant 8 : i32
      %mul3A_261 = arith.muli %scan3A_104, %mul3A_260 : i32
      %add3A_262 = arith.constant 5 : i32
      %add3A_263 = arith.addi %mul3A_261, %add3A_262 : i32
      %dma_wait3A_264 = arith.constant 5 : i32
      %dma_wait3A_265 = arith.constant 0 : i32
      %dma_wait3A_266 = arith.constant 0 : i32
      %dma_wait3A_267 = tpu.memref_slice %arg6[%dma_wait3A_264, %dma_wait3A_265, %dma_wait3A_266] : memref<8x128x32xf32, #tpu.memory_space<vmem>> -> memref<1x128x32xf32, #tpu.memory_space<vmem>>
      %dma_wait3A_268 = tpu.memref_squeeze %dma_wait3A_267 : memref<1x128x32xf32, #tpu.memory_space<vmem>> -> memref<128x32xf32, #tpu.memory_space<vmem>>
      %dma_wait3A_269 = arith.constant 0 : i32
      %dma_wait3A_270 = tpu.memref_slice %arg5[%add3A_263, %dma_wait3A_269] : memref<104x128xi32, #tpu.memory_space<vmem>> -> memref<1x128xi32, #tpu.memory_space<vmem>>
      %dma_wait3A_271 = tpu.memref_squeeze %dma_wait3A_270 : memref<1x128xi32, #tpu.memory_space<vmem>> -> memref<128xi32, #tpu.memory_space<vmem>>
      %dma_wait3A_272 = arith.constant 0 : i32
      %dma_wait3A_273 = arith.constant 0 : i32
      %dma_wait3A_274 = tpu.memref_slice %arg3[%dma_wait3A_272, %dma_wait3A_273] : memref<1015808x32xf32, #tpu.memory_space<hbm>> -> memref<1015808x32xf32, #tpu.memory_space<hbm>>
      tpu.wait_indirect_dma semaphore(%arg12 : memref<!tpu.dma_semaphore, #tpu.memory_space<semaphore_mem>>) src(%dma_wait3A_274 : memref<1015808x32xf32, #tpu.memory_space<hbm>>) dst(%dma_wait3A_268 : memref<128x32xf32, #tpu.memory_space<vmem>>)
      %add3A_275 = arith.addi %mul3A_2, %add3A_263 : i32
      %mul3A_276 = arith.constant 128 : i32
      %mul3A_277 = arith.muli %add3A_275, %mul3A_276 : i32
      %dma_start3A_278 = arith.constant 5 : i32
      %dma_start3A_279 = arith.constant 0 : i32
      %dma_start3A_280 = arith.constant 0 : i32
      %dma_start3A_281 = tpu.memref_slice %arg6[%dma_start3A_278, %dma_start3A_279, %dma_start3A_280] : memref<8x128x32xf32, #tpu.memory_space<vmem>> -> memref<1x128x32xf32, #tpu.memory_space<vmem>>
      %dma_start3A_282 = tpu.memref_squeeze %dma_start3A_281 : memref<1x128x32xf32, #tpu.memory_space<vmem>> -> memref<128x32xf32, #tpu.memory_space<vmem>>
      %dma_start3A_283 = arith.constant 0 : i32
      %dma_start3A_284 = tpu.memref_slice %arg4[%mul3A_277, %dma_start3A_283] : memref<425984x32xf32, #tpu.memory_space<hbm>> -> memref<128x32xf32, #tpu.memory_space<hbm>>
      %dma_start3A_285 = arith.constant 0 : i32
      %dma_start3A_286 = tpu.memref_slice %arg4[%mul3A_277, %dma_start3A_285] : memref<425984x32xf32, #tpu.memory_space<hbm>> -> memref<128x32xf32, #tpu.memory_space<hbm>>
      %dma_start3A_287 = arith.constant 0 : i32
      %dma_start3A_288 = arith.constant 0 : i32
      %dma_start3A_289 = tpu.memref_slice %arg6[%dma_start3A_278, %dma_start3A_287, %dma_start3A_288] : memref<8x128x32xf32, #tpu.memory_space<vmem>> -> memref<1x128x32xf32, #tpu.memory_space<vmem>>
      %dma_start3A_290 = tpu.memref_squeeze %dma_start3A_289 : memref<1x128x32xf32, #tpu.memory_space<vmem>> -> memref<128x32xf32, #tpu.memory_space<vmem>>
      tpu.enqueue_dma source(%dma_start3A_290 : memref<128x32xf32, #tpu.memory_space<vmem>>) target(%dma_start3A_286 : memref<128x32xf32, #tpu.memory_space<hbm>>) target_semaphore(%arg20 : memref<!tpu.dma_semaphore, #tpu.memory_space<semaphore_mem>>)
      %mul3A_291 = arith.constant 8 : i32
      %mul3A_292 = arith.muli %scan3A_104, %mul3A_291 : i32
      %add3A_293 = arith.constant 6 : i32
      %add3A_294 = arith.addi %mul3A_292, %add3A_293 : i32
      %dma_wait3A_295 = arith.constant 6 : i32
      %dma_wait3A_296 = arith.constant 0 : i32
      %dma_wait3A_297 = arith.constant 0 : i32
      %dma_wait3A_298 = tpu.memref_slice %arg6[%dma_wait3A_295, %dma_wait3A_296, %dma_wait3A_297] : memref<8x128x32xf32, #tpu.memory_space<vmem>> -> memref<1x128x32xf32, #tpu.memory_space<vmem>>
      %dma_wait3A_299 = tpu.memref_squeeze %dma_wait3A_298 : memref<1x128x32xf32, #tpu.memory_space<vmem>> -> memref<128x32xf32, #tpu.memory_space<vmem>>
      %dma_wait3A_300 = arith.constant 0 : i32
      %dma_wait3A_301 = tpu.memref_slice %arg5[%add3A_294, %dma_wait3A_300] : memref<104x128xi32, #tpu.memory_space<vmem>> -> memref<1x128xi32, #tpu.memory_space<vmem>>
      %dma_wait3A_302 = tpu.memref_squeeze %dma_wait3A_301 : memref<1x128xi32, #tpu.memory_space<vmem>> -> memref<128xi32, #tpu.memory_space<vmem>>
      %dma_wait3A_303 = arith.constant 0 : i32
      %dma_wait3A_304 = arith.constant 0 : i32
      %dma_wait3A_305 = tpu.memref_slice %arg3[%dma_wait3A_303, %dma_wait3A_304] : memref<1015808x32xf32, #tpu.memory_space<hbm>> -> memref<1015808x32xf32, #tpu.memory_space<hbm>>
      tpu.wait_indirect_dma semaphore(%arg13 : memref<!tpu.dma_semaphore, #tpu.memory_space<semaphore_mem>>) src(%dma_wait3A_305 : memref<1015808x32xf32, #tpu.memory_space<hbm>>) dst(%dma_wait3A_299 : memref<128x32xf32, #tpu.memory_space<vmem>>)
      %add3A_306 = arith.addi %mul3A_2, %add3A_294 : i32
      %mul3A_307 = arith.constant 128 : i32
      %mul3A_308 = arith.muli %add3A_306, %mul3A_307 : i32
      %dma_start3A_309 = arith.constant 6 : i32
      %dma_start3A_310 = arith.constant 0 : i32
      %dma_start3A_311 = arith.constant 0 : i32
      %dma_start3A_312 = tpu.memref_slice %arg6[%dma_start3A_309, %dma_start3A_310, %dma_start3A_311] : memref<8x128x32xf32, #tpu.memory_space<vmem>> -> memref<1x128x32xf32, #tpu.memory_space<vmem>>
      %dma_start3A_313 = tpu.memref_squeeze %dma_start3A_312 : memref<1x128x32xf32, #tpu.memory_space<vmem>> -> memref<128x32xf32, #tpu.memory_space<vmem>>
      %dma_start3A_314 = arith.constant 0 : i32
      %dma_start3A_315 = tpu.memref_slice %arg4[%mul3A_308, %dma_start3A_314] : memref<425984x32xf32, #tpu.memory_space<hbm>> -> memref<128x32xf32, #tpu.memory_space<hbm>>
      %dma_start3A_316 = arith.constant 0 : i32
      %dma_start3A_317 = tpu.memref_slice %arg4[%mul3A_308, %dma_start3A_316] : memref<425984x32xf32, #tpu.memory_space<hbm>> -> memref<128x32xf32, #tpu.memory_space<hbm>>
      %dma_start3A_318 = arith.constant 0 : i32
      %dma_start3A_319 = arith.constant 0 : i32
      %dma_start3A_320 = tpu.memref_slice %arg6[%dma_start3A_309, %dma_start3A_318, %dma_start3A_319] : memref<8x128x32xf32, #tpu.memory_space<vmem>> -> memref<1x128x32xf32, #tpu.memory_space<vmem>>
      %dma_start3A_321 = tpu.memref_squeeze %dma_start3A_320 : memref<1x128x32xf32, #tpu.memory_space<vmem>> -> memref<128x32xf32, #tpu.memory_space<vmem>>
      tpu.enqueue_dma source(%dma_start3A_321 : memref<128x32xf32, #tpu.memory_space<vmem>>) target(%dma_start3A_317 : memref<128x32xf32, #tpu.memory_space<hbm>>) target_semaphore(%arg21 : memref<!tpu.dma_semaphore, #tpu.memory_space<semaphore_mem>>)
      %mul3A_322 = arith.constant 8 : i32
      %mul3A_323 = arith.muli %scan3A_104, %mul3A_322 : i32
      %add3A_324 = arith.constant 7 : i32
      %add3A_325 = arith.addi %mul3A_323, %add3A_324 : i32
      %dma_wait3A_326 = arith.constant 7 : i32
      %dma_wait3A_327 = arith.constant 0 : i32
      %dma_wait3A_328 = arith.constant 0 : i32
      %dma_wait3A_329 = tpu.memref_slice %arg6[%dma_wait3A_326, %dma_wait3A_327, %dma_wait3A_328] : memref<8x128x32xf32, #tpu.memory_space<vmem>> -> memref<1x128x32xf32, #tpu.memory_space<vmem>>
      %dma_wait3A_330 = tpu.memref_squeeze %dma_wait3A_329 : memref<1x128x32xf32, #tpu.memory_space<vmem>> -> memref<128x32xf32, #tpu.memory_space<vmem>>
      %dma_wait3A_331 = arith.constant 0 : i32
      %dma_wait3A_332 = tpu.memref_slice %arg5[%add3A_325, %dma_wait3A_331] : memref<104x128xi32, #tpu.memory_space<vmem>> -> memref<1x128xi32, #tpu.memory_space<vmem>>
      %dma_wait3A_333 = tpu.memref_squeeze %dma_wait3A_332 : memref<1x128xi32, #tpu.memory_space<vmem>> -> memref<128xi32, #tpu.memory_space<vmem>>
      %dma_wait3A_334 = arith.constant 0 : i32
      %dma_wait3A_335 = arith.constant 0 : i32
      %dma_wait3A_336 = tpu.memref_slice %arg3[%dma_wait3A_334, %dma_wait3A_335] : memref<1015808x32xf32, #tpu.memory_space<hbm>> -> memref<1015808x32xf32, #tpu.memory_space<hbm>>
      tpu.wait_indirect_dma semaphore(%arg14 : memref<!tpu.dma_semaphore, #tpu.memory_space<semaphore_mem>>) src(%dma_wait3A_336 : memref<1015808x32xf32, #tpu.memory_space<hbm>>) dst(%dma_wait3A_330 : memref<128x32xf32, #tpu.memory_space<vmem>>)
      %add3A_337 = arith.addi %mul3A_2, %add3A_325 : i32
      %mul3A_338 = arith.constant 128 : i32
      %mul3A_339 = arith.muli %add3A_337, %mul3A_338 : i32
      %dma_start3A_340 = arith.constant 7 : i32
      %dma_start3A_341 = arith.constant 0 : i32
      %dma_start3A_342 = arith.constant 0 : i32
      %dma_start3A_343 = tpu.memref_slice %arg6[%dma_start3A_340, %dma_start3A_341, %dma_start3A_342] : memref<8x128x32xf32, #tpu.memory_space<vmem>> -> memref<1x128x32xf32, #tpu.memory_space<vmem>>
      %dma_start3A_344 = tpu.memref_squeeze %dma_start3A_343 : memref<1x128x32xf32, #tpu.memory_space<vmem>> -> memref<128x32xf32, #tpu.memory_space<vmem>>
      %dma_start3A_345 = arith.constant 0 : i32
      %dma_start3A_346 = tpu.memref_slice %arg4[%mul3A_339, %dma_start3A_345] : memref<425984x32xf32, #tpu.memory_space<hbm>> -> memref<128x32xf32, #tpu.memory_space<hbm>>
      %dma_start3A_347 = arith.constant 0 : i32
      %dma_start3A_348 = tpu.memref_slice %arg4[%mul3A_339, %dma_start3A_347] : memref<425984x32xf32, #tpu.memory_space<hbm>> -> memref<128x32xf32, #tpu.memory_space<hbm>>
      %dma_start3A_349 = arith.constant 0 : i32
      %dma_start3A_350 = arith.constant 0 : i32
      %dma_start3A_351 = tpu.memref_slice %arg6[%dma_start3A_340, %dma_start3A_349, %dma_start3A_350] : memref<8x128x32xf32, #tpu.memory_space<vmem>> -> memref<1x128x32xf32, #tpu.memory_space<vmem>>
      %dma_start3A_352 = tpu.memref_squeeze %dma_start3A_351 : memref<1x128x32xf32, #tpu.memory_space<vmem>> -> memref<128x32xf32, #tpu.memory_space<vmem>>
      tpu.enqueue_dma source(%dma_start3A_352 : memref<128x32xf32, #tpu.memory_space<vmem>>) target(%dma_start3A_348 : memref<128x32xf32, #tpu.memory_space<hbm>>) target_semaphore(%arg22 : memref<!tpu.dma_semaphore, #tpu.memory_space<semaphore_mem>>)
      %mul3A_353 = arith.constant 8 : i32
      %mul3A_354 = arith.muli %scan3A_104, %mul3A_353 : i32
      %add3A_355 = arith.constant 0 : i32
      %add3A_356 = arith.addi %mul3A_354, %add3A_355 : i32
      %add3A_357 = arith.addi %mul3A_2, %add3A_356 : i32
      %mul3A_358 = arith.constant 128 : i32
      %mul3A_359 = arith.muli %add3A_357, %mul3A_358 : i32
      %dma_wait3A_360 = arith.constant 0 : i32
      %dma_wait3A_361 = arith.constant 0 : i32
      %dma_wait3A_362 = arith.constant 0 : i32
      %dma_wait3A_363 = tpu.memref_slice %arg6[%dma_wait3A_360, %dma_wait3A_361, %dma_wait3A_362] : memref<8x128x32xf32, #tpu.memory_space<vmem>> -> memref<1x128x32xf32, #tpu.memory_space<vmem>>
      %dma_wait3A_364 = tpu.memref_squeeze %dma_wait3A_363 : memref<1x128x32xf32, #tpu.memory_space<vmem>> -> memref<128x32xf32, #tpu.memory_space<vmem>>
      %dma_wait3A_365 = arith.constant 0 : i32
      %dma_wait3A_366 = tpu.memref_slice %arg4[%mul3A_359, %dma_wait3A_365] : memref<425984x32xf32, #tpu.memory_space<hbm>> -> memref<128x32xf32, #tpu.memory_space<hbm>>
      %dma_wait3A_367 = arith.constant 0 : i32
      %dma_wait3A_368 = tpu.memref_slice %arg4[%mul3A_359, %dma_wait3A_367] : memref<425984x32xf32, #tpu.memory_space<hbm>> -> memref<128x32xf32, #tpu.memory_space<hbm>>
      %dma_wait3A_369 = arith.constant 0 : i32
      %dma_wait3A_370 = arith.constant 0 : i32
      %dma_wait3A_371 = tpu.memref_slice %arg6[%dma_wait3A_360, %dma_wait3A_369, %dma_wait3A_370] : memref<8x128x32xf32, #tpu.memory_space<vmem>> -> memref<1x128x32xf32, #tpu.memory_space<vmem>>
      %dma_wait3A_372 = tpu.memref_squeeze %dma_wait3A_371 : memref<1x128x32xf32, #tpu.memory_space<vmem>> -> memref<128x32xf32, #tpu.memory_space<vmem>>
      tpu.wait_dma2 semaphore(%arg15 : memref<!tpu.dma_semaphore, #tpu.memory_space<semaphore_mem>>) src(%dma_wait3A_372 : memref<128x32xf32, #tpu.memory_space<vmem>>) dst(%dma_wait3A_368 : memref<128x32xf32, #tpu.memory_space<hbm>>)
      %add3A_373 = arith.constant 8 : i32
      %add3A_374 = arith.addi %add3A_356, %add3A_373 : i32
      %lt3A = arith.constant 104 : i32
      %lt3A_375 = arith.cmpi slt, %add3A_374, %lt3A : i32
      %convert_element_type3A = arith.extui %lt3A_375 : i1 to i32
      %cond3A = arith.constant 0 : i32
      %cond3A_376 = arith.cmpi ne, %convert_element_type3A, %cond3A : i32
      scf.if %cond3A_376 {
        %add3A_567 = arith.constant 8 : i32
        %add3A_568 = arith.addi %add3A_356, %add3A_567 : i32
        %dma_start3A_569 = arith.constant 0 : i32
        %dma_start3A_570 = arith.constant 0 : i32
        %dma_start3A_571 = arith.constant 0 : i32
        %dma_start3A_572 = tpu.memref_slice %arg6[%dma_start3A_569, %dma_start3A_570, %dma_start3A_571] : memref<8x128x32xf32, #tpu.memory_space<vmem>> -> memref<1x128x32xf32, #tpu.memory_space<vmem>>
        %dma_start3A_573 = tpu.memref_squeeze %dma_start3A_572 : memref<1x128x32xf32, #tpu.memory_space<vmem>> -> memref<128x32xf32, #tpu.memory_space<vmem>>
        %dma_start3A_574 = arith.constant 0 : i32
        %dma_start3A_575 = tpu.memref_slice %arg5[%add3A_568, %dma_start3A_574] : memref<104x128xi32, #tpu.memory_space<vmem>> -> memref<1x128xi32, #tpu.memory_space<vmem>>
        %dma_start3A_576 = tpu.memref_squeeze %dma_start3A_575 : memref<1x128xi32, #tpu.memory_space<vmem>> -> memref<128xi32, #tpu.memory_space<vmem>>
        %dma_start3A_577 = arith.constant 0 : i32
        %dma_start3A_578 = arith.constant 0 : i32
        %dma_start3A_579 = tpu.memref_slice %arg3[%dma_start3A_577, %dma_start3A_578] : memref<1015808x32xf32, #tpu.memory_space<hbm>> -> memref<1015808x32xf32, #tpu.memory_space<hbm>>
        tpu.enqueue_indirect_dma source(%dma_start3A_579 : memref<1015808x32xf32, #tpu.memory_space<hbm>>) target(%dma_start3A_573 : memref<128x32xf32, #tpu.memory_space<vmem>>) offsets(%dma_start3A_576 : memref<128xi32, #tpu.memory_space<vmem>>) semaphore(%arg7 : memref<!tpu.dma_semaphore, #tpu.memory_space<semaphore_mem>>)
      } else {
      }
      %mul3A_377 = arith.constant 8 : i32
      %mul3A_378 = arith.muli %scan3A_104, %mul3A_377 : i32
      %add3A_379 = arith.constant 1 : i32
      %add3A_380 = arith.addi %mul3A_378, %add3A_379 : i32
      %add3A_381 = arith.addi %mul3A_2, %add3A_380 : i32
      %mul3A_382 = arith.constant 128 : i32
      %mul3A_383 = arith.muli %add3A_381, %mul3A_382 : i32
      %dma_wait3A_384 = arith.constant 1 : i32
      %dma_wait3A_385 = arith.constant 0 : i32
      %dma_wait3A_386 = arith.constant 0 : i32
      %dma_wait3A_387 = tpu.memref_slice %arg6[%dma_wait3A_384, %dma_wait3A_385, %dma_wait3A_386] : memref<8x128x32xf32, #tpu.memory_space<vmem>> -> memref<1x128x32xf32, #tpu.memory_space<vmem>>
      %dma_wait3A_388 = tpu.memref_squeeze %dma_wait3A_387 : memref<1x128x32xf32, #tpu.memory_space<vmem>> -> memref<128x32xf32, #tpu.memory_space<vmem>>
      %dma_wait3A_389 = arith.constant 0 : i32
      %dma_wait3A_390 = tpu.memref_slice %arg4[%mul3A_383, %dma_wait3A_389] : memref<425984x32xf32, #tpu.memory_space<hbm>> -> memref<128x32xf32, #tpu.memory_space<hbm>>
      %dma_wait3A_391 = arith.constant 0 : i32
      %dma_wait3A_392 = tpu.memref_slice %arg4[%mul3A_383, %dma_wait3A_391] : memref<425984x32xf32, #tpu.memory_space<hbm>> -> memref<128x32xf32, #tpu.memory_space<hbm>>
      %dma_wait3A_393 = arith.constant 0 : i32
      %dma_wait3A_394 = arith.constant 0 : i32
      %dma_wait3A_395 = tpu.memref_slice %arg6[%dma_wait3A_384, %dma_wait3A_393, %dma_wait3A_394] : memref<8x128x32xf32, #tpu.memory_space<vmem>> -> memref<1x128x32xf32, #tpu.memory_space<vmem>>
      %dma_wait3A_396 = tpu.memref_squeeze %dma_wait3A_395 : memref<1x128x32xf32, #tpu.memory_space<vmem>> -> memref<128x32xf32, #tpu.memory_space<vmem>>
      tpu.wait_dma2 semaphore(%arg16 : memref<!tpu.dma_semaphore, #tpu.memory_space<semaphore_mem>>) src(%dma_wait3A_396 : memref<128x32xf32, #tpu.memory_space<vmem>>) dst(%dma_wait3A_392 : memref<128x32xf32, #tpu.memory_space<hbm>>)
      %add3A_397 = arith.constant 8 : i32
      %add3A_398 = arith.addi %add3A_380, %add3A_397 : i32
      %lt3A_399 = arith.constant 104 : i32
      %lt3A_400 = arith.cmpi slt, %add3A_398, %lt3A_399 : i32
      %convert_element_type3A_401 = arith.extui %lt3A_400 : i1 to i32
      %cond3A_402 = arith.constant 0 : i32
      %cond3A_403 = arith.cmpi ne, %convert_element_type3A_401, %cond3A_402 : i32
      scf.if %cond3A_403 {
        %add3A_567 = arith.constant 8 : i32
        %add3A_568 = arith.addi %add3A_380, %add3A_567 : i32
        %dma_start3A_569 = arith.constant 1 : i32
        %dma_start3A_570 = arith.constant 0 : i32
        %dma_start3A_571 = arith.constant 0 : i32
        %dma_start3A_572 = tpu.memref_slice %arg6[%dma_start3A_569, %dma_start3A_570, %dma_start3A_571] : memref<8x128x32xf32, #tpu.memory_space<vmem>> -> memref<1x128x32xf32, #tpu.memory_space<vmem>>
        %dma_start3A_573 = tpu.memref_squeeze %dma_start3A_572 : memref<1x128x32xf32, #tpu.memory_space<vmem>> -> memref<128x32xf32, #tpu.memory_space<vmem>>
        %dma_start3A_574 = arith.constant 0 : i32
        %dma_start3A_575 = tpu.memref_slice %arg5[%add3A_568, %dma_start3A_574] : memref<104x128xi32, #tpu.memory_space<vmem>> -> memref<1x128xi32, #tpu.memory_space<vmem>>
        %dma_start3A_576 = tpu.memref_squeeze %dma_start3A_575 : memref<1x128xi32, #tpu.memory_space<vmem>> -> memref<128xi32, #tpu.memory_space<vmem>>
        %dma_start3A_577 = arith.constant 0 : i32
        %dma_start3A_578 = arith.constant 0 : i32
        %dma_start3A_579 = tpu.memref_slice %arg3[%dma_start3A_577, %dma_start3A_578] : memref<1015808x32xf32, #tpu.memory_space<hbm>> -> memref<1015808x32xf32, #tpu.memory_space<hbm>>
        tpu.enqueue_indirect_dma source(%dma_start3A_579 : memref<1015808x32xf32, #tpu.memory_space<hbm>>) target(%dma_start3A_573 : memref<128x32xf32, #tpu.memory_space<vmem>>) offsets(%dma_start3A_576 : memref<128xi32, #tpu.memory_space<vmem>>) semaphore(%arg8 : memref<!tpu.dma_semaphore, #tpu.memory_space<semaphore_mem>>)
      } else {
      }
      %mul3A_404 = arith.constant 8 : i32
      %mul3A_405 = arith.muli %scan3A_104, %mul3A_404 : i32
      %add3A_406 = arith.constant 2 : i32
      %add3A_407 = arith.addi %mul3A_405, %add3A_406 : i32
      %add3A_408 = arith.addi %mul3A_2, %add3A_407 : i32
      %mul3A_409 = arith.constant 128 : i32
      %mul3A_410 = arith.muli %add3A_408, %mul3A_409 : i32
      %dma_wait3A_411 = arith.constant 2 : i32
      %dma_wait3A_412 = arith.constant 0 : i32
      %dma_wait3A_413 = arith.constant 0 : i32
      %dma_wait3A_414 = tpu.memref_slice %arg6[%dma_wait3A_411, %dma_wait3A_412, %dma_wait3A_413] : memref<8x128x32xf32, #tpu.memory_space<vmem>> -> memref<1x128x32xf32, #tpu.memory_space<vmem>>
      %dma_wait3A_415 = tpu.memref_squeeze %dma_wait3A_414 : memref<1x128x32xf32, #tpu.memory_space<vmem>> -> memref<128x32xf32, #tpu.memory_space<vmem>>
      %dma_wait3A_416 = arith.constant 0 : i32
      %dma_wait3A_417 = tpu.memref_slice %arg4[%mul3A_410, %dma_wait3A_416] : memref<425984x32xf32, #tpu.memory_space<hbm>> -> memref<128x32xf32, #tpu.memory_space<hbm>>
      %dma_wait3A_418 = arith.constant 0 : i32
      %dma_wait3A_419 = tpu.memref_slice %arg4[%mul3A_410, %dma_wait3A_418] : memref<425984x32xf32, #tpu.memory_space<hbm>> -> memref<128x32xf32, #tpu.memory_space<hbm>>
      %dma_wait3A_420 = arith.constant 0 : i32
      %dma_wait3A_421 = arith.constant 0 : i32
      %dma_wait3A_422 = tpu.memref_slice %arg6[%dma_wait3A_411, %dma_wait3A_420, %dma_wait3A_421] : memref<8x128x32xf32, #tpu.memory_space<vmem>> -> memref<1x128x32xf32, #tpu.memory_space<vmem>>
      %dma_wait3A_423 = tpu.memref_squeeze %dma_wait3A_422 : memref<1x128x32xf32, #tpu.memory_space<vmem>> -> memref<128x32xf32, #tpu.memory_space<vmem>>
      tpu.wait_dma2 semaphore(%arg17 : memref<!tpu.dma_semaphore, #tpu.memory_space<semaphore_mem>>) src(%dma_wait3A_423 : memref<128x32xf32, #tpu.memory_space<vmem>>) dst(%dma_wait3A_419 : memref<128x32xf32, #tpu.memory_space<hbm>>)
      %add3A_424 = arith.constant 8 : i32
      %add3A_425 = arith.addi %add3A_407, %add3A_424 : i32
      %lt3A_426 = arith.constant 104 : i32
      %lt3A_427 = arith.cmpi slt, %add3A_425, %lt3A_426 : i32
      %convert_element_type3A_428 = arith.extui %lt3A_427 : i1 to i32
      %cond3A_429 = arith.constant 0 : i32
      %cond3A_430 = arith.cmpi ne, %convert_element_type3A_428, %cond3A_429 : i32
      scf.if %cond3A_430 {
        %add3A_567 = arith.constant 8 : i32
        %add3A_568 = arith.addi %add3A_407, %add3A_567 : i32
        %dma_start3A_569 = arith.constant 2 : i32
        %dma_start3A_570 = arith.constant 0 : i32
        %dma_start3A_571 = arith.constant 0 : i32
        %dma_start3A_572 = tpu.memref_slice %arg6[%dma_start3A_569, %dma_start3A_570, %dma_start3A_571] : memref<8x128x32xf32, #tpu.memory_space<vmem>> -> memref<1x128x32xf32, #tpu.memory_space<vmem>>
        %dma_start3A_573 = tpu.memref_squeeze %dma_start3A_572 : memref<1x128x32xf32, #tpu.memory_space<vmem>> -> memref<128x32xf32, #tpu.memory_space<vmem>>
        %dma_start3A_574 = arith.constant 0 : i32
        %dma_start3A_575 = tpu.memref_slice %arg5[%add3A_568, %dma_start3A_574] : memref<104x128xi32, #tpu.memory_space<vmem>> -> memref<1x128xi32, #tpu.memory_space<vmem>>
        %dma_start3A_576 = tpu.memref_squeeze %dma_start3A_575 : memref<1x128xi32, #tpu.memory_space<vmem>> -> memref<128xi32, #tpu.memory_space<vmem>>
        %dma_start3A_577 = arith.constant 0 : i32
        %dma_start3A_578 = arith.constant 0 : i32
        %dma_start3A_579 = tpu.memref_slice %arg3[%dma_start3A_577, %dma_start3A_578] : memref<1015808x32xf32, #tpu.memory_space<hbm>> -> memref<1015808x32xf32, #tpu.memory_space<hbm>>
        tpu.enqueue_indirect_dma source(%dma_start3A_579 : memref<1015808x32xf32, #tpu.memory_space<hbm>>) target(%dma_start3A_573 : memref<128x32xf32, #tpu.memory_space<vmem>>) offsets(%dma_start3A_576 : memref<128xi32, #tpu.memory_space<vmem>>) semaphore(%arg9 : memref<!tpu.dma_semaphore, #tpu.memory_space<semaphore_mem>>)
      } else {
      }
      %mul3A_431 = arith.constant 8 : i32
      %mul3A_432 = arith.muli %scan3A_104, %mul3A_431 : i32
      %add3A_433 = arith.constant 3 : i32
      %add3A_434 = arith.addi %mul3A_432, %add3A_433 : i32
      %add3A_435 = arith.addi %mul3A_2, %add3A_434 : i32
      %mul3A_436 = arith.constant 128 : i32
      %mul3A_437 = arith.muli %add3A_435, %mul3A_436 : i32
      %dma_wait3A_438 = arith.constant 3 : i32
      %dma_wait3A_439 = arith.constant 0 : i32
      %dma_wait3A_440 = arith.constant 0 : i32
      %dma_wait3A_441 = tpu.memref_slice %arg6[%dma_wait3A_438, %dma_wait3A_439, %dma_wait3A_440] : memref<8x128x32xf32, #tpu.memory_space<vmem>> -> memref<1x128x32xf32, #tpu.memory_space<vmem>>
      %dma_wait3A_442 = tpu.memref_squeeze %dma_wait3A_441 : memref<1x128x32xf32, #tpu.memory_space<vmem>> -> memref<128x32xf32, #tpu.memory_space<vmem>>
      %dma_wait3A_443 = arith.constant 0 : i32
      %dma_wait3A_444 = tpu.memref_slice %arg4[%mul3A_437, %dma_wait3A_443] : memref<425984x32xf32, #tpu.memory_space<hbm>> -> memref<128x32xf32, #tpu.memory_space<hbm>>
      %dma_wait3A_445 = arith.constant 0 : i32
      %dma_wait3A_446 = tpu.memref_slice %arg4[%mul3A_437, %dma_wait3A_445] : memref<425984x32xf32, #tpu.memory_space<hbm>> -> memref<128x32xf32, #tpu.memory_space<hbm>>
      %dma_wait3A_447 = arith.constant 0 : i32
      %dma_wait3A_448 = arith.constant 0 : i32
      %dma_wait3A_449 = tpu.memref_slice %arg6[%dma_wait3A_438, %dma_wait3A_447, %dma_wait3A_448] : memref<8x128x32xf32, #tpu.memory_space<vmem>> -> memref<1x128x32xf32, #tpu.memory_space<vmem>>
      %dma_wait3A_450 = tpu.memref_squeeze %dma_wait3A_449 : memref<1x128x32xf32, #tpu.memory_space<vmem>> -> memref<128x32xf32, #tpu.memory_space<vmem>>
      tpu.wait_dma2 semaphore(%arg18 : memref<!tpu.dma_semaphore, #tpu.memory_space<semaphore_mem>>) src(%dma_wait3A_450 : memref<128x32xf32, #tpu.memory_space<vmem>>) dst(%dma_wait3A_446 : memref<128x32xf32, #tpu.memory_space<hbm>>)
      %add3A_451 = arith.constant 8 : i32
      %add3A_452 = arith.addi %add3A_434, %add3A_451 : i32
      %lt3A_453 = arith.constant 104 : i32
      %lt3A_454 = arith.cmpi slt, %add3A_452, %lt3A_453 : i32
      %convert_element_type3A_455 = arith.extui %lt3A_454 : i1 to i32
      %cond3A_456 = arith.constant 0 : i32
      %cond3A_457 = arith.cmpi ne, %convert_element_type3A_455, %cond3A_456 : i32
      scf.if %cond3A_457 {
        %add3A_567 = arith.constant 8 : i32
        %add3A_568 = arith.addi %add3A_434, %add3A_567 : i32
        %dma_start3A_569 = arith.constant 3 : i32
        %dma_start3A_570 = arith.constant 0 : i32
        %dma_start3A_571 = arith.constant 0 : i32
        %dma_start3A_572 = tpu.memref_slice %arg6[%dma_start3A_569, %dma_start3A_570, %dma_start3A_571] : memref<8x128x32xf32, #tpu.memory_space<vmem>> -> memref<1x128x32xf32, #tpu.memory_space<vmem>>
        %dma_start3A_573 = tpu.memref_squeeze %dma_start3A_572 : memref<1x128x32xf32, #tpu.memory_space<vmem>> -> memref<128x32xf32, #tpu.memory_space<vmem>>
        %dma_start3A_574 = arith.constant 0 : i32
        %dma_start3A_575 = tpu.memref_slice %arg5[%add3A_568, %dma_start3A_574] : memref<104x128xi32, #tpu.memory_space<vmem>> -> memref<1x128xi32, #tpu.memory_space<vmem>>
        %dma_start3A_576 = tpu.memref_squeeze %dma_start3A_575 : memref<1x128xi32, #tpu.memory_space<vmem>> -> memref<128xi32, #tpu.memory_space<vmem>>
        %dma_start3A_577 = arith.constant 0 : i32
        %dma_start3A_578 = arith.constant 0 : i32
        %dma_start3A_579 = tpu.memref_slice %arg3[%dma_start3A_577, %dma_start3A_578] : memref<1015808x32xf32, #tpu.memory_space<hbm>> -> memref<1015808x32xf32, #tpu.memory_space<hbm>>
        tpu.enqueue_indirect_dma source(%dma_start3A_579 : memref<1015808x32xf32, #tpu.memory_space<hbm>>) target(%dma_start3A_573 : memref<128x32xf32, #tpu.memory_space<vmem>>) offsets(%dma_start3A_576 : memref<128xi32, #tpu.memory_space<vmem>>) semaphore(%arg10 : memref<!tpu.dma_semaphore, #tpu.memory_space<semaphore_mem>>)
      } else {
      }
      %mul3A_458 = arith.constant 8 : i32
      %mul3A_459 = arith.muli %scan3A_104, %mul3A_458 : i32
      %add3A_460 = arith.constant 4 : i32
      %add3A_461 = arith.addi %mul3A_459, %add3A_460 : i32
      %add3A_462 = arith.addi %mul3A_2, %add3A_461 : i32
      %mul3A_463 = arith.constant 128 : i32
      %mul3A_464 = arith.muli %add3A_462, %mul3A_463 : i32
      %dma_wait3A_465 = arith.constant 4 : i32
      %dma_wait3A_466 = arith.constant 0 : i32
      %dma_wait3A_467 = arith.constant 0 : i32
      %dma_wait3A_468 = tpu.memref_slice %arg6[%dma_wait3A_465, %dma_wait3A_466, %dma_wait3A_467] : memref<8x128x32xf32, #tpu.memory_space<vmem>> -> memref<1x128x32xf32, #tpu.memory_space<vmem>>
      %dma_wait3A_469 = tpu.memref_squeeze %dma_wait3A_468 : memref<1x128x32xf32, #tpu.memory_space<vmem>> -> memref<128x32xf32, #tpu.memory_space<vmem>>
      %dma_wait3A_470 = arith.constant 0 : i32
      %dma_wait3A_471 = tpu.memref_slice %arg4[%mul3A_464, %dma_wait3A_470] : memref<425984x32xf32, #tpu.memory_space<hbm>> -> memref<128x32xf32, #tpu.memory_space<hbm>>
      %dma_wait3A_472 = arith.constant 0 : i32
      %dma_wait3A_473 = tpu.memref_slice %arg4[%mul3A_464, %dma_wait3A_472] : memref<425984x32xf32, #tpu.memory_space<hbm>> -> memref<128x32xf32, #tpu.memory_space<hbm>>
      %dma_wait3A_474 = arith.constant 0 : i32
      %dma_wait3A_475 = arith.constant 0 : i32
      %dma_wait3A_476 = tpu.memref_slice %arg6[%dma_wait3A_465, %dma_wait3A_474, %dma_wait3A_475] : memref<8x128x32xf32, #tpu.memory_space<vmem>> -> memref<1x128x32xf32, #tpu.memory_space<vmem>>
      %dma_wait3A_477 = tpu.memref_squeeze %dma_wait3A_476 : memref<1x128x32xf32, #tpu.memory_space<vmem>> -> memref<128x32xf32, #tpu.memory_space<vmem>>
      tpu.wait_dma2 semaphore(%arg19 : memref<!tpu.dma_semaphore, #tpu.memory_space<semaphore_mem>>) src(%dma_wait3A_477 : memref<128x32xf32, #tpu.memory_space<vmem>>) dst(%dma_wait3A_473 : memref<128x32xf32, #tpu.memory_space<hbm>>)
      %add3A_478 = arith.constant 8 : i32
      %add3A_479 = arith.addi %add3A_461, %add3A_478 : i32
      %lt3A_480 = arith.constant 104 : i32
      %lt3A_481 = arith.cmpi slt, %add3A_479, %lt3A_480 : i32
      %convert_element_type3A_482 = arith.extui %lt3A_481 : i1 to i32
      %cond3A_483 = arith.constant 0 : i32
      %cond3A_484 = arith.cmpi ne, %convert_element_type3A_482, %cond3A_483 : i32
      scf.if %cond3A_484 {
        %add3A_567 = arith.constant 8 : i32
        %add3A_568 = arith.addi %add3A_461, %add3A_567 : i32
        %dma_start3A_569 = arith.constant 4 : i32
        %dma_start3A_570 = arith.constant 0 : i32
        %dma_start3A_571 = arith.constant 0 : i32
        %dma_start3A_572 = tpu.memref_slice %arg6[%dma_start3A_569, %dma_start3A_570, %dma_start3A_571] : memref<8x128x32xf32, #tpu.memory_space<vmem>> -> memref<1x128x32xf32, #tpu.memory_space<vmem>>
        %dma_start3A_573 = tpu.memref_squeeze %dma_start3A_572 : memref<1x128x32xf32, #tpu.memory_space<vmem>> -> memref<128x32xf32, #tpu.memory_space<vmem>>
        %dma_start3A_574 = arith.constant 0 : i32
        %dma_start3A_575 = tpu.memref_slice %arg5[%add3A_568, %dma_start3A_574] : memref<104x128xi32, #tpu.memory_space<vmem>> -> memref<1x128xi32, #tpu.memory_space<vmem>>
        %dma_start3A_576 = tpu.memref_squeeze %dma_start3A_575 : memref<1x128xi32, #tpu.memory_space<vmem>> -> memref<128xi32, #tpu.memory_space<vmem>>
        %dma_start3A_577 = arith.constant 0 : i32
        %dma_start3A_578 = arith.constant 0 : i32
        %dma_start3A_579 = tpu.memref_slice %arg3[%dma_start3A_577, %dma_start3A_578] : memref<1015808x32xf32, #tpu.memory_space<hbm>> -> memref<1015808x32xf32, #tpu.memory_space<hbm>>
        tpu.enqueue_indirect_dma source(%dma_start3A_579 : memref<1015808x32xf32, #tpu.memory_space<hbm>>) target(%dma_start3A_573 : memref<128x32xf32, #tpu.memory_space<vmem>>) offsets(%dma_start3A_576 : memref<128xi32, #tpu.memory_space<vmem>>) semaphore(%arg11 : memref<!tpu.dma_semaphore, #tpu.memory_space<semaphore_mem>>)
      } else {
      }
      %mul3A_485 = arith.constant 8 : i32
      %mul3A_486 = arith.muli %scan3A_104, %mul3A_485 : i32
      %add3A_487 = arith.constant 5 : i32
      %add3A_488 = arith.addi %mul3A_486, %add3A_487 : i32
      %add3A_489 = arith.addi %mul3A_2, %add3A_488 : i32
      %mul3A_490 = arith.constant 128 : i32
      %mul3A_491 = arith.muli %add3A_489, %mul3A_490 : i32
      %dma_wait3A_492 = arith.constant 5 : i32
      %dma_wait3A_493 = arith.constant 0 : i32
      %dma_wait3A_494 = arith.constant 0 : i32
      %dma_wait3A_495 = tpu.memref_slice %arg6[%dma_wait3A_492, %dma_wait3A_493, %dma_wait3A_494] : memref<8x128x32xf32, #tpu.memory_space<vmem>> -> memref<1x128x32xf32, #tpu.memory_space<vmem>>
      %dma_wait3A_496 = tpu.memref_squeeze %dma_wait3A_495 : memref<1x128x32xf32, #tpu.memory_space<vmem>> -> memref<128x32xf32, #tpu.memory_space<vmem>>
      %dma_wait3A_497 = arith.constant 0 : i32
      %dma_wait3A_498 = tpu.memref_slice %arg4[%mul3A_491, %dma_wait3A_497] : memref<425984x32xf32, #tpu.memory_space<hbm>> -> memref<128x32xf32, #tpu.memory_space<hbm>>
      %dma_wait3A_499 = arith.constant 0 : i32
      %dma_wait3A_500 = tpu.memref_slice %arg4[%mul3A_491, %dma_wait3A_499] : memref<425984x32xf32, #tpu.memory_space<hbm>> -> memref<128x32xf32, #tpu.memory_space<hbm>>
      %dma_wait3A_501 = arith.constant 0 : i32
      %dma_wait3A_502 = arith.constant 0 : i32
      %dma_wait3A_503 = tpu.memref_slice %arg6[%dma_wait3A_492, %dma_wait3A_501, %dma_wait3A_502] : memref<8x128x32xf32, #tpu.memory_space<vmem>> -> memref<1x128x32xf32, #tpu.memory_space<vmem>>
      %dma_wait3A_504 = tpu.memref_squeeze %dma_wait3A_503 : memref<1x128x32xf32, #tpu.memory_space<vmem>> -> memref<128x32xf32, #tpu.memory_space<vmem>>
      tpu.wait_dma2 semaphore(%arg20 : memref<!tpu.dma_semaphore, #tpu.memory_space<semaphore_mem>>) src(%dma_wait3A_504 : memref<128x32xf32, #tpu.memory_space<vmem>>) dst(%dma_wait3A_500 : memref<128x32xf32, #tpu.memory_space<hbm>>)
      %add3A_505 = arith.constant 8 : i32
      %add3A_506 = arith.addi %add3A_488, %add3A_505 : i32
      %lt3A_507 = arith.constant 104 : i32
      %lt3A_508 = arith.cmpi slt, %add3A_506, %lt3A_507 : i32
      %convert_element_type3A_509 = arith.extui %lt3A_508 : i1 to i32
      %cond3A_510 = arith.constant 0 : i32
      %cond3A_511 = arith.cmpi ne, %convert_element_type3A_509, %cond3A_510 : i32
      scf.if %cond3A_511 {
        %add3A_567 = arith.constant 8 : i32
        %add3A_568 = arith.addi %add3A_488, %add3A_567 : i32
        %dma_start3A_569 = arith.constant 5 : i32
        %dma_start3A_570 = arith.constant 0 : i32
        %dma_start3A_571 = arith.constant 0 : i32
        %dma_start3A_572 = tpu.memref_slice %arg6[%dma_start3A_569, %dma_start3A_570, %dma_start3A_571] : memref<8x128x32xf32, #tpu.memory_space<vmem>> -> memref<1x128x32xf32, #tpu.memory_space<vmem>>
        %dma_start3A_573 = tpu.memref_squeeze %dma_start3A_572 : memref<1x128x32xf32, #tpu.memory_space<vmem>> -> memref<128x32xf32, #tpu.memory_space<vmem>>
        %dma_start3A_574 = arith.constant 0 : i32
        %dma_start3A_575 = tpu.memref_slice %arg5[%add3A_568, %dma_start3A_574] : memref<104x128xi32, #tpu.memory_space<vmem>> -> memref<1x128xi32, #tpu.memory_space<vmem>>
        %dma_start3A_576 = tpu.memref_squeeze %dma_start3A_575 : memref<1x128xi32, #tpu.memory_space<vmem>> -> memref<128xi32, #tpu.memory_space<vmem>>
        %dma_start3A_577 = arith.constant 0 : i32
        %dma_start3A_578 = arith.constant 0 : i32
        %dma_start3A_579 = tpu.memref_slice %arg3[%dma_start3A_577, %dma_start3A_578] : memref<1015808x32xf32, #tpu.memory_space<hbm>> -> memref<1015808x32xf32, #tpu.memory_space<hbm>>
        tpu.enqueue_indirect_dma source(%dma_start3A_579 : memref<1015808x32xf32, #tpu.memory_space<hbm>>) target(%dma_start3A_573 : memref<128x32xf32, #tpu.memory_space<vmem>>) offsets(%dma_start3A_576 : memref<128xi32, #tpu.memory_space<vmem>>) semaphore(%arg12 : memref<!tpu.dma_semaphore, #tpu.memory_space<semaphore_mem>>)
      } else {
      }
      %mul3A_512 = arith.constant 8 : i32
      %mul3A_513 = arith.muli %scan3A_104, %mul3A_512 : i32
      %add3A_514 = arith.constant 6 : i32
      %add3A_515 = arith.addi %mul3A_513, %add3A_514 : i32
      %add3A_516 = arith.addi %mul3A_2, %add3A_515 : i32
      %mul3A_517 = arith.constant 128 : i32
      %mul3A_518 = arith.muli %add3A_516, %mul3A_517 : i32
      %dma_wait3A_519 = arith.constant 6 : i32
      %dma_wait3A_520 = arith.constant 0 : i32
      %dma_wait3A_521 = arith.constant 0 : i32
      %dma_wait3A_522 = tpu.memref_slice %arg6[%dma_wait3A_519, %dma_wait3A_520, %dma_wait3A_521] : memref<8x128x32xf32, #tpu.memory_space<vmem>> -> memref<1x128x32xf32, #tpu.memory_space<vmem>>
      %dma_wait3A_523 = tpu.memref_squeeze %dma_wait3A_522 : memref<1x128x32xf32, #tpu.memory_space<vmem>> -> memref<128x32xf32, #tpu.memory_space<vmem>>
      %dma_wait3A_524 = arith.constant 0 : i32
      %dma_wait3A_525 = tpu.memref_slice %arg4[%mul3A_518, %dma_wait3A_524] : memref<425984x32xf32, #tpu.memory_space<hbm>> -> memref<128x32xf32, #tpu.memory_space<hbm>>
      %dma_wait3A_526 = arith.constant 0 : i32
      %dma_wait3A_527 = tpu.memref_slice %arg4[%mul3A_518, %dma_wait3A_526] : memref<425984x32xf32, #tpu.memory_space<hbm>> -> memref<128x32xf32, #tpu.memory_space<hbm>>
      %dma_wait3A_528 = arith.constant 0 : i32
      %dma_wait3A_529 = arith.constant 0 : i32
      %dma_wait3A_530 = tpu.memref_slice %arg6[%dma_wait3A_519, %dma_wait3A_528, %dma_wait3A_529] : memref<8x128x32xf32, #tpu.memory_space<vmem>> -> memref<1x128x32xf32, #tpu.memory_space<vmem>>
      %dma_wait3A_531 = tpu.memref_squeeze %dma_wait3A_530 : memref<1x128x32xf32, #tpu.memory_space<vmem>> -> memref<128x32xf32, #tpu.memory_space<vmem>>
      tpu.wait_dma2 semaphore(%arg21 : memref<!tpu.dma_semaphore, #tpu.memory_space<semaphore_mem>>) src(%dma_wait3A_531 : memref<128x32xf32, #tpu.memory_space<vmem>>) dst(%dma_wait3A_527 : memref<128x32xf32, #tpu.memory_space<hbm>>)
      %add3A_532 = arith.constant 8 : i32
      %add3A_533 = arith.addi %add3A_515, %add3A_532 : i32
      %lt3A_534 = arith.constant 104 : i32
      %lt3A_535 = arith.cmpi slt, %add3A_533, %lt3A_534 : i32
      %convert_element_type3A_536 = arith.extui %lt3A_535 : i1 to i32
      %cond3A_537 = arith.constant 0 : i32
      %cond3A_538 = arith.cmpi ne, %convert_element_type3A_536, %cond3A_537 : i32
      scf.if %cond3A_538 {
        %add3A_567 = arith.constant 8 : i32
        %add3A_568 = arith.addi %add3A_515, %add3A_567 : i32
        %dma_start3A_569 = arith.constant 6 : i32
        %dma_start3A_570 = arith.constant 0 : i32
        %dma_start3A_571 = arith.constant 0 : i32
        %dma_start3A_572 = tpu.memref_slice %arg6[%dma_start3A_569, %dma_start3A_570, %dma_start3A_571] : memref<8x128x32xf32, #tpu.memory_space<vmem>> -> memref<1x128x32xf32, #tpu.memory_space<vmem>>
        %dma_start3A_573 = tpu.memref_squeeze %dma_start3A_572 : memref<1x128x32xf32, #tpu.memory_space<vmem>> -> memref<128x32xf32, #tpu.memory_space<vmem>>
        %dma_start3A_574 = arith.constant 0 : i32
        %dma_start3A_575 = tpu.memref_slice %arg5[%add3A_568, %dma_start3A_574] : memref<104x128xi32, #tpu.memory_space<vmem>> -> memref<1x128xi32, #tpu.memory_space<vmem>>
        %dma_start3A_576 = tpu.memref_squeeze %dma_start3A_575 : memref<1x128xi32, #tpu.memory_space<vmem>> -> memref<128xi32, #tpu.memory_space<vmem>>
        %dma_start3A_577 = arith.constant 0 : i32
        %dma_start3A_578 = arith.constant 0 : i32
        %dma_start3A_579 = tpu.memref_slice %arg3[%dma_start3A_577, %dma_start3A_578] : memref<1015808x32xf32, #tpu.memory_space<hbm>> -> memref<1015808x32xf32, #tpu.memory_space<hbm>>
        tpu.enqueue_indirect_dma source(%dma_start3A_579 : memref<1015808x32xf32, #tpu.memory_space<hbm>>) target(%dma_start3A_573 : memref<128x32xf32, #tpu.memory_space<vmem>>) offsets(%dma_start3A_576 : memref<128xi32, #tpu.memory_space<vmem>>) semaphore(%arg13 : memref<!tpu.dma_semaphore, #tpu.memory_space<semaphore_mem>>)
      } else {
      }
      %mul3A_539 = arith.constant 8 : i32
      %mul3A_540 = arith.muli %scan3A_104, %mul3A_539 : i32
      %add3A_541 = arith.constant 7 : i32
      %add3A_542 = arith.addi %mul3A_540, %add3A_541 : i32
      %add3A_543 = arith.addi %mul3A_2, %add3A_542 : i32
      %mul3A_544 = arith.constant 128 : i32
      %mul3A_545 = arith.muli %add3A_543, %mul3A_544 : i32
      %dma_wait3A_546 = arith.constant 7 : i32
      %dma_wait3A_547 = arith.constant 0 : i32
      %dma_wait3A_548 = arith.constant 0 : i32
      %dma_wait3A_549 = tpu.memref_slice %arg6[%dma_wait3A_546, %dma_wait3A_547, %dma_wait3A_548] : memref<8x128x32xf32, #tpu.memory_space<vmem>> -> memref<1x128x32xf32, #tpu.memory_space<vmem>>
      %dma_wait3A_550 = tpu.memref_squeeze %dma_wait3A_549 : memref<1x128x32xf32, #tpu.memory_space<vmem>> -> memref<128x32xf32, #tpu.memory_space<vmem>>
      %dma_wait3A_551 = arith.constant 0 : i32
      %dma_wait3A_552 = tpu.memref_slice %arg4[%mul3A_545, %dma_wait3A_551] : memref<425984x32xf32, #tpu.memory_space<hbm>> -> memref<128x32xf32, #tpu.memory_space<hbm>>
      %dma_wait3A_553 = arith.constant 0 : i32
      %dma_wait3A_554 = tpu.memref_slice %arg4[%mul3A_545, %dma_wait3A_553] : memref<425984x32xf32, #tpu.memory_space<hbm>> -> memref<128x32xf32, #tpu.memory_space<hbm>>
      %dma_wait3A_555 = arith.constant 0 : i32
      %dma_wait3A_556 = arith.constant 0 : i32
      %dma_wait3A_557 = tpu.memref_slice %arg6[%dma_wait3A_546, %dma_wait3A_555, %dma_wait3A_556] : memref<8x128x32xf32, #tpu.memory_space<vmem>> -> memref<1x128x32xf32, #tpu.memory_space<vmem>>
      %dma_wait3A_558 = tpu.memref_squeeze %dma_wait3A_557 : memref<1x128x32xf32, #tpu.memory_space<vmem>> -> memref<128x32xf32, #tpu.memory_space<vmem>>
      tpu.wait_dma2 semaphore(%arg22 : memref<!tpu.dma_semaphore, #tpu.memory_space<semaphore_mem>>) src(%dma_wait3A_558 : memref<128x32xf32, #tpu.memory_space<vmem>>) dst(%dma_wait3A_554 : memref<128x32xf32, #tpu.memory_space<hbm>>)
      %add3A_559 = arith.constant 8 : i32
      %add3A_560 = arith.addi %add3A_542, %add3A_559 : i32
      %lt3A_561 = arith.constant 104 : i32
      %lt3A_562 = arith.cmpi slt, %add3A_560, %lt3A_561 : i32
      %convert_element_type3A_563 = arith.extui %lt3A_562 : i1 to i32
      %cond3A_564 = arith.constant 0 : i32
      %cond3A_565 = arith.cmpi ne, %convert_element_type3A_563, %cond3A_564 : i32
      scf.if %cond3A_565 {
        %add3A_567 = arith.constant 8 : i32
        %add3A_568 = arith.addi %add3A_542, %add3A_567 : i32
        %dma_start3A_569 = arith.constant 7 : i32
        %dma_start3A_570 = arith.constant 0 : i32
        %dma_start3A_571 = arith.constant 0 : i32
        %dma_start3A_572 = tpu.memref_slice %arg6[%dma_start3A_569, %dma_start3A_570, %dma_start3A_571] : memref<8x128x32xf32, #tpu.memory_space<vmem>> -> memref<1x128x32xf32, #tpu.memory_space<vmem>>
        %dma_start3A_573 = tpu.memref_squeeze %dma_start3A_572 : memref<1x128x32xf32, #tpu.memory_space<vmem>> -> memref<128x32xf32, #tpu.memory_space<vmem>>
        %dma_start3A_574 = arith.constant 0 : i32
        %dma_start3A_575 = tpu.memref_slice %arg5[%add3A_568, %dma_start3A_574] : memref<104x128xi32, #tpu.memory_space<vmem>> -> memref<1x128xi32, #tpu.memory_space<vmem>>
        %dma_start3A_576 = tpu.memref_squeeze %dma_start3A_575 : memref<1x128xi32, #tpu.memory_space<vmem>> -> memref<128xi32, #tpu.memory_space<vmem>>
        %dma_start3A_577 = arith.constant 0 : i32
        %dma_start3A_578 = arith.constant 0 : i32
        %dma_start3A_579 = tpu.memref_slice %arg3[%dma_start3A_577, %dma_start3A_578] : memref<1015808x32xf32, #tpu.memory_space<hbm>> -> memref<1015808x32xf32, #tpu.memory_space<hbm>>
        tpu.enqueue_indirect_dma source(%dma_start3A_579 : memref<1015808x32xf32, #tpu.memory_space<hbm>>) target(%dma_start3A_573 : memref<128x32xf32, #tpu.memory_space<vmem>>) offsets(%dma_start3A_576 : memref<128xi32, #tpu.memory_space<vmem>>) semaphore(%arg14 : memref<!tpu.dma_semaphore, #tpu.memory_space<semaphore_mem>>)
      } else {
      }
      %scan3A_566 = arith.constant 0 : i32
      scf.yield %scan3A_566 : i32
    }
    %scan3A_103 = arith.constant 13 : i32
    return
  }
}

module attributes {stable_mosaic.version = 14 : i64} {
  func.func @_linearize_body(%arg0: i32, %arg1: memref<32x16384xf32, #tpu.memory_space<vmem>>, %arg2: memref<1x4096x128xf32, #tpu.memory_space<vmem>>) attributes {dimension_semantics = [#tpu.dimension_semantics<arbitrary>], iteration_bounds = array<i64: 62>, scalar_prefetch = 0 : i64, scratch_operands = 0 : i64, tpu.core_type = #tpu.core_type<tc>, window_params = [{transform_indices = @transform_0, window_bounds = array<i64: 32, 16384>}, {transform_indices = @transform_1, window_bounds = array<i64: 1, 4096, 128>}]} {
    %get3A = arith.constant 0 : index
    %get3A_0 = arith.constant 0 : index
    %get3A_1 = vector.load %arg1[%get3A, %get3A_0] : memref<32x16384xf32, #tpu.memory_space<vmem>>, vector<32x16384xf32>
    %transpose3A = tpu.transpose %get3A_1, [1, 0] : vector<32x16384xf32> -> vector<16384x32xf32>
    %reshape3A = vector.shape_cast %transpose3A : vector<16384x32xf32> to vector<4096x4x32xf32>
    %slice3A = vector.extract_strided_slice %reshape3A {offsets = [0, 0, 0], sizes = [4096, 1, 32], strides = [1, 1, 1]} : vector<4096x4x32xf32> to vector<4096x1x32xf32>
    %squeeze3A = vector.shape_cast %slice3A : vector<4096x1x32xf32> to vector<4096x32xf32>
    %swap3A = arith.constant 0 : index
    %swap3A_2 = arith.constant 0 : index
    %swap3A_3 = arith.constant 0 : index
    %swap3A_4 = vector.load %arg2[%swap3A, %swap3A_2, %swap3A_3] : memref<1x4096x128xf32, #tpu.memory_space<vmem>>, vector<1x4096x32xf32>
    %swap3A_5 = vector.shape_cast %swap3A_4 : vector<1x4096x32xf32> to vector<4096x32xf32>
    %swap3A_6 = vector.shape_cast %squeeze3A : vector<4096x32xf32> to vector<1x4096x32xf32>
    tpu.vector_store %arg2[%swap3A, %swap3A_2, %swap3A_3], %swap3A_6 {strides = array<i32>} : memref<1x4096x128xf32, #tpu.memory_space<vmem>>, vector<1x4096x32xf32>,
    %slice3A_7 = vector.extract_strided_slice %reshape3A {offsets = [0, 1, 0], sizes = [4096, 1, 32], strides = [1, 1, 1]} : vector<4096x4x32xf32> to vector<4096x1x32xf32>
    %squeeze3A_8 = vector.shape_cast %slice3A_7 : vector<4096x1x32xf32> to vector<4096x32xf32>
    %swap3A_9 = arith.constant 0 : index
    %swap3A_10 = arith.constant 0 : index
    %swap3A_11 = arith.constant 32 : index
    %swap3A_12 = vector.load %arg2[%swap3A_9, %swap3A_10, %swap3A_11] : memref<1x4096x128xf32, #tpu.memory_space<vmem>>, vector<1x4096x32xf32>
    %swap3A_13 = vector.shape_cast %swap3A_12 : vector<1x4096x32xf32> to vector<4096x32xf32>
    %swap3A_14 = vector.shape_cast %squeeze3A_8 : vector<4096x32xf32> to vector<1x4096x32xf32>
    tpu.vector_store %arg2[%swap3A_9, %swap3A_10, %swap3A_11], %swap3A_14 {strides = array<i32>} : memref<1x4096x128xf32, #tpu.memory_space<vmem>>, vector<1x4096x32xf32>,
    %slice3A_15 = vector.extract_strided_slice %reshape3A {offsets = [0, 2, 0], sizes = [4096, 1, 32], strides = [1, 1, 1]} : vector<4096x4x32xf32> to vector<4096x1x32xf32>
    %squeeze3A_16 = vector.shape_cast %slice3A_15 : vector<4096x1x32xf32> to vector<4096x32xf32>
    %swap3A_17 = arith.constant 0 : index
    %swap3A_18 = arith.constant 0 : index
    %swap3A_19 = arith.constant 64 : index
    %swap3A_20 = vector.load %arg2[%swap3A_17, %swap3A_18, %swap3A_19] : memref<1x4096x128xf32, #tpu.memory_space<vmem>>, vector<1x4096x32xf32>
    %swap3A_21 = vector.shape_cast %swap3A_20 : vector<1x4096x32xf32> to vector<4096x32xf32>
    %swap3A_22 = vector.shape_cast %squeeze3A_16 : vector<4096x32xf32> to vector<1x4096x32xf32>
    tpu.vector_store %arg2[%swap3A_17, %swap3A_18, %swap3A_19], %swap3A_22 {strides = array<i32>} : memref<1x4096x128xf32, #tpu.memory_space<vmem>>, vector<1x4096x32xf32>,
    %slice3A_23 = vector.extract_strided_slice %reshape3A {offsets = [0, 3, 0], sizes = [4096, 1, 32], strides = [1, 1, 1]} : vector<4096x4x32xf32> to vector<4096x1x32xf32>
    %squeeze3A_24 = vector.shape_cast %slice3A_23 : vector<4096x1x32xf32> to vector<4096x32xf32>
    %swap3A_25 = arith.constant 0 : index
    %swap3A_26 = arith.constant 0 : index
    %swap3A_27 = arith.constant 96 : index
    %swap3A_28 = vector.load %arg2[%swap3A_25, %swap3A_26, %swap3A_27] : memref<1x4096x128xf32, #tpu.memory_space<vmem>>, vector<1x4096x32xf32>
    %swap3A_29 = vector.shape_cast %swap3A_28 : vector<1x4096x32xf32> to vector<4096x32xf32>
    %swap3A_30 = vector.shape_cast %squeeze3A_24 : vector<4096x32xf32> to vector<1x4096x32xf32>
    tpu.vector_store %arg2[%swap3A_25, %swap3A_26, %swap3A_27], %swap3A_30 {strides = array<i32>} : memref<1x4096x128xf32, #tpu.memory_space<vmem>>, vector<1x4096x32xf32>,
    return
  }
  func.func @transform_0(%arg0: i32) -> (i32, i32) {
    %c0_i32 = arith.constant 0 : i32
    %c0_i32_0 = arith.constant 0 : i32
    return %c0_i32, %arg0 : i32, i32
  }
  func.func @transform_1(%arg0: i32) -> (i32, i32, i32) {
    %c0_i32 = arith.constant 0 : i32
    %c0_i32_0 = arith.constant 0 : i32
    %c0_i32_1 = arith.constant 0 : i32
    return %arg0, %c0_i32, %c0_i32_0 : i32, i32, i32
  }
}

</mosaic_0001>

<sc_bundles>
// kernel: kernel.4.cloned.1.call-start
scs
__scs_entry_jumppad:
0x0: {  	(pc) =	sbr.rel $0x88, $3  }
0x1: {  	(tag) =	ssettag $0x0;
	lr =	simm.s32 $0x1  }
0x2: {  	[smem:$0x3F9F] =	sst lr;
	_ =	strace $0xD0000000  }
0x3: {  	_ = 	snop  }
0x4: {  	_ = 	snop  }
0x5: {  	_ = 	snop  }
0x6: {  	_ = 	snop  }
0x7: {  	_ = 	snop  }
__scs_overlays_trampoline_lowered:
0x8: {  	[smem:$0x3FAE] =	sst s0  }
0x9: {  	[smem:$0x3FAF] =	sst s1  }
0xa: {  	[smem:$0x3FB0] =	sst s2  }
0xb: {  	[smem:$0x3FB1] =	sst s3  }
0xc: {  	[smem:$0x3FB2] =	sst s4  }
0xd: {  	[smem:$0x3FB3] =	sst s5  }
0xe: {  	[smem:$0x3FB4] =	sst s6  }
0xf: {  	[smem:$0x3FB5] =	sst s7  }
0x10: {  	[smem:$0x3FB6] =	sst s8  }
0x11: {  	[smem:$0x3FB7] =	sst s9;
	s0 =	simm.s32 @!p0 $0x0  }
0x12: {  	s1 =	sld [smem:$0x3F9D];
	s0 =	simm.s32 @p0 $0x1  }
0x13: {  	[smem:$0x3FB8] =	sst s0;
	s0 =	simm.s32 @!p1 $0x0  }
0x14: {  	s2 =	sld [smem:$0x3F9C];
	s0 =	simm.s32 @p1 $0x1  }
0x15: {  	[smem:$0x3FB9] =	sst s0;
	s0 =	simm.s32 @!p2 $0x0  }
0x16: {  	s3 =	sld [smem:$0x3FDB];
	s0 =	simm.s32 @p2 $0x1  }
0x17: {  	s4 =	simm.s32 $0x1BF5;
	[smem:$0x3FBB] =	sst s0  }
0x18: {  	s0 =	sld [smem:$0x3F9E];
	_ =	swait.ge [sflag:s4], $0x0  }
0x19: {  	s7 =	sld [smem:$0x3F9F]  }
0x1a: {  	s8 =	sadd.s32 $0xFFFFE003, lr  }
0x1b: {  	s9 =	sadd.s32 $0xFFFFFEF7, lr;
	s5 =	simm.s32 $0xFFFFFFFF;
	p2 =	slt.u32 s8, $0xFFFFF086  }
0x1c: {  	p1 =	slt.u32 s9, $0xF7A;
	s5 =	simm.s32 @!p2 $0x0  }
0x1d: {  	s5 =	simm.s32 @p1 $0x1;
	p0 =	seq.s32 s7, s2  }
0x1e: {  	s7 =	smul.u32 @!p0 $0xF7A, s2;
	p2 =	seq.s32 @!p0 s5, $0x0  }
0x1f: {  	s9 =	smul.u32 $0xF7A, s1;
	s8 =	simm.s32 @!p0 $0x1BF5;
	p2 =	por !p2, p0  }
0x20: {  	[sflag:s8] =	ssyncset.s32 @!p0 $0xFFFFF086;
	s6 =	sadd.s32 @!p0 s3, s7;
	s7 =	simm.s32 @!p0 $0x108  }
0x21: {  	s3 =	sadd.s32 s3, s9;
	s6 =	sadd.s32 @!p0 $0x88, s6;
	s7 =	simm.s32 @p2 $0x1082  }
0x22: {  	[simem:s7], [sflag:s8] =	dma.local @!p0 [hbm:s6], $0xF7A  }
0x23: {  	s9 =	sor.u32 $0xD0000000, s2;
	s6 =	simm.s32 $0x108;
	_ =	swait.ge @!p0 [sflag:s8], $0x0  }
0x24: {  	s3 =	sadd.s32 $0x88, s3;
	s6 =	simm.s32 @!p1 $0x1082;
	[sflag:s4] =	ssyncset.s32 $0xFFFFF086  }
0x25: {  	[simem:s6], [sflag:s4] =	dma.local [hbm:s3], $0xF7A  }
0x26: {  	[smem:$0x3F9F] =	sst s1;
	(tag) =	ssettag s2;
	_ =	strace s9  }
0x27: {  	s1 =	sld [smem:$0x3FAF]  }
0x28: {  	s2 =	sld [smem:$0x3FB0]  }
0x29: {  	s4 =	sld [smem:$0x3FB2]  }
0x2a: {  	p0 =	seq.s32 s5, $0x0;
	s5 =	sld [smem:$0x3FB3]  }
0x2b: {  	s6 =	sld [smem:$0x3FB4]  }
0x2c: {  	s7 =	sld [smem:$0x3FB5]  }
0x2d: {  	s3 =	simm.s32 $0x108;
	s8 =	sld [smem:$0x3FB6]  }
0x2e: {  	s3 =	simm.s32 @!p0 $0x1082;
	s9 =	sld [smem:$0x3FB7]  }
0x2f: {  	lr =	sadd.s32 s0, s3;
	s0 =	sld [smem:$0x3FAE]  }
0x30: {  	s3 =	sld [smem:$0x3FB1]  }
0x31: {  	[smem:$0x3FBA] =	sst s10  }
0x32: {  	s10 =	sld [smem:$0x3FB8];
	_ =	sdelay $0x3  }
0x33: {  	p0 =	seq.s32 s10, $0x1;
	s10 =	sld [smem:$0x3FBA];
	_ =	sdelay $0x3  }
0x34: {  	[smem:$0x3FBA] =	sst s10  }
0x35: {  	s10 =	sld [smem:$0x3FB9];
	_ =	sdelay $0x3  }
0x36: {  	p1 =	seq.s32 s10, $0x1;
	s10 =	sld [smem:$0x3FBA];
	_ =	sdelay $0x3  }
0x37: {  	[smem:$0x3FBA] =	sst s10  }
0x38: {  	s10 =	sld [smem:$0x3FBB]  }
0x39: {  	_ = 	snop;
	(pc) =	sbr.ind lr, $3  }
0x3a: {  	_ = 	snop  }
0x3b: {  	_ = 	snop  }
0x3c: {  	p2 =	seq.s32 s10, $0x1;
	s10 =	sld [smem:$0x3FBA]  }
0x3d: {  	_ =	shalt  }
0x3e: {  	_ =	shalt  }
0x3f: {  	_ =	shalt  }
0x40: {  	_ =	shalt  }
0x41: {  	_ =	shalt  }
0x42: {  	_ =	shalt  }
0x43: {  	_ =	shalt  }
0x44: {  	_ =	shalt  }
0x45: {  	_ =	shalt  }
0x46: {  	_ =	shalt  }
0x47: {  	_ =	shalt  }
0x48: {  	_ =	shalt  }
0x49: {  	_ =	shalt  }
0x4a: {  	_ =	shalt  }
0x4b: {  	_ =	shalt  }
0x4c: {  	_ =	shalt  }
0x4d: {  	_ =	shalt  }
0x4e: {  	_ =	shalt  }
0x4f: {  	_ =	shalt  }
0x50: {  	_ =	shalt  }
0x51: {  	_ =	shalt  }
0x52: {  	_ =	shalt  }
0x53: {  	_ =	shalt  }
0x54: {  	_ =	shalt  }
0x55: {  	_ =	shalt  }
0x56: {  	_ =	shalt  }
0x57: {  	_ =	shalt  }
0x58: {  	_ =	shalt  }
0x59: {  	_ =	shalt  }
0x5a: {  	_ =	shalt  }
0x5b: {  	_ =	shalt  }
0x5c: {  	_ =	shalt  }
0x5d: {  	_ =	shalt  }
0x5e: {  	_ =	shalt  }
0x5f: {  	_ =	shalt  }
0x60: {  	_ =	shalt  }
0x61: {  	_ =	shalt  }
0x62: {  	_ =	shalt  }
0x63: {  	_ =	shalt  }
0x64: {  	_ =	shalt  }
0x65: {  	_ =	shalt  }
0x66: {  	_ =	shalt  }
0x67: {  	_ =	shalt  }
0x68: {  	_ =	shalt  }
0x69: {  	_ =	shalt  }
0x6a: {  	_ =	shalt  }
0x6b: {  	_ =	shalt  }
0x6c: {  	_ =	shalt  }
0x6d: {  	_ =	shalt  }
0x6e: {  	_ =	shalt  }
0x6f: {  	_ =	shalt  }
0x70: {  	_ =	shalt  }
0x71: {  	_ =	shalt  }
0x72: {  	_ =	shalt  }
0x73: {  	_ =	shalt  }
0x74: {  	_ =	shalt  }
0x75: {  	_ =	shalt  }
0x76: {  	_ =	shalt  }
0x77: {  	_ =	shalt  }
0x78: {  	_ =	shalt  }
0x79: {  	_ =	shalt  }
0x7a: {  	_ =	shalt  }
0x7b: {  	_ =	shalt  }
0x7c: {  	_ =	shalt  }
0x7d: {  	_ =	shalt  }
0x7e: {  	_ =	shalt  }
0x7f: {  	_ =	shalt  }
0x80: {  	_ =	shalt  }
0x81: {  	_ =	shalt  }
0x82: {  	_ =	shalt  }
0x83: {  	_ =	shalt  }
0x84: {  	_ =	shalt  }
0x85: {  	_ =	shalt  }
0x86: {  	_ =	shalt  }
0x87: {  	_ =	shalt  }
.Lfunc_end0:
.L_simem_size_0:
called_computation.1_lowered:
.L_overlay_start_0:
0x88: {  	s2 =	sld [smem:$0x3FD9]  }
0x89: {  	s3 =	sld [smem:$0x3FFE];
	_ =	sdelay $0x1  }
0x8a: {  	s1 =	srdreg.scid  }
0x8b: {  	s0 =	sand.u32 $0x1, s1  }
0x8c: {  	s17 =	sshll.u32 s0, $0xA;
	s2 =	sadd.s32 s3, s2  }
0x8d: {  	s2 =	sadd.s32 s2, s17  }
0x8e: {  	[smem:$0x3FC6] =	sst s2  }
0x8f: {  	_ = 	snop  }
0x90: {  	s2 =	sld [smem:$0x3FD0];
	(tm) =	ssettm $0x1  }
0x91: {  	s18 =	sld [smem:$0x3FFB];
	_ =	sdelay $0x3  }
0x92: {  	_ =	strace s18  }
0x93: {  	s3 =	sld [smem:$0x3FFC];
	_ =	sdelay $0x3  }
0x94: {  	_ =	strace s3  }
0x95: {  	s3 =	sld [smem:$0x3FFD];
	_ =	sdelay $0x3  }
0x96: {  	_ =	strace s3  }
0x97: {  	_ =	strace $0x8FFFFFFF  }
0x98: {  	s19 =	sld [smem:$0x3FDB];
	_ =	sdelay $0x1  }
0x99: {  	s4 =	simm.s32 $_scs_section_size  }
0x9a: {  	s5 =	simm.s32 $_size__tile_overlayer_lowered;
	s6 =	simm.s32 $_tile_overlayer_lowered  }
0x9b: {  	s22 =	simm.s32 $0x1BFF;
	s21 =	sshll.u32 s6, $0x1;
	s3 =	sadd.s32 s4, s19  }
0x9c: {  	s7 =	simm.s32 $0x0;
	s20 =	sshll.u32 s5, $0x1;
	s5 =	sadd.s32 s21, s3  }
0x9d: {  	[timem:s7], [sflag:s22] =	dma.local [hbm:s5], s20  }
0x9e: {  	_ =	swait.ge [sflag:s22], s20  }
0x9f: {  	s4 =	ssub.s32 $0x0, s20;
	[sflag:s22] =	ssyncset.done $0x0  }
0xa0: {  	[sflag:s22] =	ssyncadd.s32 s4;
	_ =	sdelay $0x1  }
0xa1: {  	s23 =	simm.s32 $0x1B8B  }
0xa2: {  	_ =	swait.ge [sflag:s23], $0x1  }
0xa3: {  	[sflag:s23] =	ssyncset.done $0x0  }
0xa4: {  	s25 =	simm.s32 $0x1B8E;
	s24 =	sld [smem:$0x3FFE];
	[sflag:s23] =	ssyncadd.s32 $0xFFFFFFFF  }
0xa5: {  	s26 =	simm.s32 $execute0_lowered;
	[smem:$0x3FD2] =	sst s25  }
0xa6: {  	s5 =	sshll.u32 s26, $0x1;
	_ =	strace $0x80000046;
	[dreg:$0x1] =	wrdreg $0xFFFFFFFF  }
0xa7: {  	s28 =	simm.s32 $_size_execute0_lowered;
	s3 =	sadd.s32 s3, s5;
	[dreg:$0x0] =	wrdreg $0x0  }
0xa8: {  	s5 =	sshll.u32 s28, $0x1;
	[dreg:$0x2] =	wrdreg s3  }
0xa9: {  	[dreg:$0x3] =	wrdreg s5  }
0xaa: {  	[dreg:$0x4] =	wrdreg $0xC0  }
0xab: {  	_ =	task [dreg:s7], $0x5FFFF  }
0xac: {  	[dreg:$0x1] =	wrdreg $0xFFFFFFFF  }
0xad: {  	[dreg:$0x0] =	wrdreg $0x60  }
0xae: {  	[dreg:$0x2] =	wrdreg s24  }
0xaf: {  	[dreg:$0x3] =	wrdreg s2  }
0xb0: {  	[dreg:$0x4] =	wrdreg $0x9  }
0xb1: {  	_ =	task.clear_ibuf [dreg:s7], $0x5FFFF;
	_ =	strace $0x90000046  }
0xb2: {  	s29 =	simm.s32 $0x9;
	_ =	strace $0x80000048  }
0xb3: {  	_ =	swait.ge [sflag:s29], $0x1  }
0xb4: {  	[sflag:s29] =	ssyncadd.s32 $0xFFFFFFFF  }
0xb5: {  	_ =	strace $0x90000048  }
0xb6: {  	_ =	sfence  }
0xb7: {  	s30 =	sld [smem:$0x0];
	_ =	sdelay $0x2  }
0xb8: {  	s31 =	sshll.u32 s1, $0xD;
	s1 =	sshrl.u32 s1, $0x2  }
0xb9: {  	s3 =	sand.u32 $0x4000, s31;
	s1 =	sadd.s32 s1, s30  }
0xba: {  	s0 =	sor.u32 s3, s0;
	s1 =	sshll.u32 s1, $0x11  }
0xbb: {  	s0 =	sor.u32 s1, s0  }
0xbc: {  	s0 =	sadd.s32 $0x8F2B, s0  }
0xbd: {  	[sflag:s0] =	ssyncadd.remote.s32 $0x1  }
0xbe: {  	_ =	sfence.sel $0xFFFF  }
0xbf: {  	[dreg:$0x0] =	wrdreg $0xFFFFFFFF;
	(pc) =	sbr.abs _section_cstart, $3  }
0xc0: {  	[dreg:$0x1] =	wrdreg $0xFFFFFFFF  }
0xc1: {  	_ =	task.clear_ibuf [dreg:s7], $0x2FFFF;
	_ =	strace $0x9FFFFFFF  }
0xc2: {  	(tm) =	ssettm $0x7FFFFFFF  }
0xc3: {  	_ =	shalt  }
tec
execute0_lowered:
.L_overlay_start_1:
0x0: {  	(tag) =	ssettag $0x1  }
0x1: {  	s0 =	srdreg.scid;
	s3 =	rddreg [dreg:$0x0]  }
0x2: {  	s9 =	stileid.u32;
	s4 =	rddreg [dreg:$0x1]  }
0x3: {  	s2 =	simm.s32 $0x0;
	s12 =	simm.s32 $0x80;
	s13 =	simm.s32 $0x3400  }
0x4: {  	s14 =	simm.s32 $0x4400;
	s16 =	simm.s32 $0x5400;
	s18 =	simm.s32 $0x6400  }
0x5: {  	s28 =	simm.s32 $0x1;
	s29 =	simm.s32 $0x2;
	s30 =	simm.s32 $0x3  }
0x6: {  	s31 =	simm.s32 $0x4;
	s15 =	simm.s32 $0x7;
	s17 =	simm.s32 $0x8  }
0x7: {  	s19 =	simm.s32 $0x9;
	s11 =	simm.s32 $0xF;
	s5 =	smul.u32 $0xD0, s9  }
0x8: {  	s0 =	sand.u32 $0x1, s0;
	s1 =	sshll.u32 s9, $0x1;
	s21 =	smul.u32 $0x1A000, s9  }
0x9: {  	[smem:$0x7FF] =	sst s2;
	s1 =	sor.u32 s0, s1;
	s6 =	smul.u32 $0x68, s0  }
0xa: {  	_ =	strace $0x80000047;
	s7 =	ssub.s32 $0x2, s0;
	s0 =	smul.u32 $0xD000, s0  }
0xb: {  	s1 =	smul.u32 $0x680, s1;
	s8 =	sshrl.u32 s7, $0x1;
	s24 =	sadd.s32 s21, s4  }
0xc: {  	s21 =	simm.s32 $0xA;
	s5 =	sadd.s32 s6, s5;
	s20 =	ssub.s32 s7, s8  }
0xd: {  	s0 =	sadd.s32 s0, s24;
	s24 =	simm.s32 $0x9400;
	s6 =	simm.s32 $0xE  }
0xe: {  	s8 =	simm.s32 $0x0;
	s1 =	sadd.s32 s1, s3;
	s3 =	sadd.s32 $0xD800, s3  }
0xf: {  	s5 =	sshll.u32 s5, $0x9;
	s22 =	smax.u32 s20, $0x1;
	[dreg:$0x8] =	wrdreg s0  }
0x10: {  	s20 =	simm.s32 $0x7400;
	s0 =	simm.s32 $0x6;
	s1 =	sadd.s32 $0x800, s1  }
0x11: {  	s5 =	sadd.s32 s5, s4;
	[dreg:$0x4] =	wrdreg s22;
	s22 =	simm.s32 $0x8400  }
.Ltmp0:
0x12: {  	[dreg:$0x3] =	wrdreg s1;
	s23 =	sadd.s32 $0xC00, s5;
	(pc) =	sbr.rel .LBB2_1-.Ltmp0, $4  }
0x13: {  	s4 =	simm.s32 $0xD;
	s25 =	sadd.s32 $0x800, s5;
	[dreg:$0x5] =	wrdreg s23  }
0x14: {  	s10 =	smov.u32 s5;
	s26 =	sadd.s32 $0x400, s5;
	[dreg:$0x6] =	wrdreg s25  }
0x15: {  	s1 =	simm.s32 $0x5;
	s5 =	simm.s32 $0x10;
	[dreg:$0x7] =	wrdreg s26  }
0x16: {  	s26 =	simm.s32 $0xA400;
	s23 =	simm.s32 $0xB;
	s25 =	simm.s32 $0xC  }
.LBB2_4:
0x17: {  	_ =	swait.ge [sflag:s21], $0x1000  }
0x18: {  	[sflag:s21] =	ssyncset.done $0x0  }
0x19: {  	[sflag:s21] =	ssyncadd.s32 $0xFFFFF000  }
0x1a: {  	_ =	swait.ge [sflag:s23], $0x1000  }
0x1b: {  	[sflag:s23] =	ssyncset.done $0x0  }
0x1c: {  	[sflag:s23] =	ssyncadd.s32 $0xFFFFF000  }
0x1d: {  	_ =	swait.ge [sflag:s25], $0x1000  }
0x1e: {  	[sflag:s25] =	ssyncset.done $0x0  }
0x1f: {  	[sflag:s25] =	ssyncadd.s32 $0xFFFFF000  }
0x20: {  	_ =	swait.ge [sflag:s4], $0x1000  }
0x21: {  	[sflag:s4] =	ssyncset.done $0x0  }
0x22: {  	[sflag:s4] =	ssyncadd.s32 $0xFFFFF000  }
0x23: {  	_ =	swait.ge [sflag:s6], $0x1000  }
0x24: {  	[sflag:s6] =	ssyncset.done $0x0  }
0x25: {  	[sflag:s6] =	ssyncadd.s32 $0xFFFFF000  }
0x26: {  	_ =	swait.ge [sflag:s11], $0x1000  }
0x27: {  	[sflag:s11] =	ssyncset.done $0x0  }
0x28: {  	[sflag:s11] =	ssyncadd.s32 $0xFFFFF000  }
0x29: {  	_ =	swait.ge [sflag:s5], $0x1000  }
0x2a: {  	s8 =	rddreg [dreg:$0x9]  }
0x2b: {  	s7 =	rddreg [dreg:$0x4];
	s8 =	sadd.s32 $0x1, s8  }
0x2c: {  	p0 =	sne.s32 s8, s7  }
.Ltmp1:
0x2d: {  	_ = 	snop;
	(pc) =	sbr.rel @!p0 .LBB2_5-.Ltmp1, $3  }
0x2e: {  	_ =	sdelay $0x1  }
0x2f: {  	[sflag:s5] =	ssyncset.done $0x0  }
0x30: {  	[sflag:s5] =	ssyncadd.s32 $0xFFFFF000  }
.LBB2_1:
0x31: {  	[dreg:$0x9] =	wrdreg s8  }
0x32: {  	s7 =	rddreg [dreg:$0x3];
	s9 =	simm.s32 $0x11  }
0x33: {  	[tilespmem:s2], [sflag:$0x11] =	stream.linear.gather [hbm4b:s7+s2], $0x3400, $0x38;
	[tilespmem:$0xB400] =	vst v63  }
0x34: {  	_ =	swait.ge [sflag:s9], $0x3400  }
0x35: {  	[sflag:s9] =	ssyncset.done $0x0  }
0x36: {  	[sflag:s9] =	ssyncadd.s32 $0xFFFFCC00  }
0x37: {  	[tilespmem:s13], [sflag:$0x1] =	stream.indirect.gather [hbm4b:s3+s12], $0x20, s2, s12, $0xb8;
	[tilespmem:$0xB400] =	vst v63  }
0x38: {  	_ = 	snop  }
0x39: {  	[tilespmem:s14], [sflag:$0x2] =	stream.indirect.gather [hbm4b:s3+s12], $0x20, s12, s12, $0xb8;
	[tilespmem:$0xB400] =	vst v63  }
0x3a: {  	s8 =	simm.s32 $0x100  }
0x3b: {  	[tilespmem:s16], [sflag:$0x3] =	stream.indirect.gather [hbm4b:s3+s12], $0x20, s8, s12, $0xb8;
	[tilespmem:$0xB400] =	vst v63  }
0x3c: {  	s9 =	simm.s32 $0x180  }
0x3d: {  	[tilespmem:s18], [sflag:$0x4] =	stream.indirect.gather [hbm4b:s3+s12], $0x20, s9, s12, $0xb8;
	[tilespmem:$0xB400] =	vst v63  }
0x3e: {  	s8 =	simm.s32 $0x200  }
0x3f: {  	[tilespmem:s20], [sflag:$0x5] =	stream.indirect.gather [hbm4b:s3+s12], $0x20, s8, s12, $0xb8;
	[tilespmem:$0xB400] =	vst v63  }
0x40: {  	s9 =	simm.s32 $0x280  }
0x41: {  	[tilespmem:s22], [sflag:$0x6] =	stream.indirect.gather [hbm4b:s3+s12], $0x20, s9, s12, $0xb8;
	[tilespmem:$0xB400] =	vst v63  }
0x42: {  	s8 =	simm.s32 $0x300  }
0x43: {  	[tilespmem:s24], [sflag:$0x7] =	stream.indirect.gather [hbm4b:s3+s12], $0x20, s8, s12, $0xb8;
	[tilespmem:$0xB400] =	vst v63  }
0x44: {  	s7 =	simm.s32 $0x0;
	s9 =	simm.s32 $0x380  }
0x45: {  	[tilespmem:s26], [sflag:$0x8] =	stream.indirect.gather [hbm4b:s3+s12], $0x20, s9, s12, $0xb8;
	[tilespmem:$0xB400] =	vst v63  }
.LBB2_2:
0x46: {  	_ =	swait.ge [sflag:s28], $0x1000  }
0x47: {  	[sflag:s28] =	ssyncset.done $0x0;
	s8 =	rddreg [dreg:$0x8]  }
0x48: {  	[sflag:s28] =	ssyncadd.s32 $0xFFFFF000;
	s8 =	sadd.s32 s7, s8  }
0x49: {  	[hbm4b:s8+s2] =	stream.linear.scatter [tilespmem:s13], [sflag:$0x9], $0x1000, $0x38;
	[tilespmem:$0xB400] =	vst v63  }
0x4a: {  	_ =	swait.ge [sflag:s29], $0x1000  }
0x4b: {  	s8 =	sadd.s32 s7, s10;
	[sflag:s29] =	ssyncset.done $0x0  }
0x4c: {  	s9 =	sadd.s32 $0x200, s8;
	[sflag:s29] =	ssyncadd.s32 $0xFFFFF000  }
0x4d: {  	[hbm4b:s9+s2] =	stream.linear.scatter [tilespmem:s14], [sflag:$0xA], $0x1000, $0x38;
	[tilespmem:$0xB400] =	vst v63  }
0x4e: {  	_ =	swait.ge [sflag:s30], $0x1000  }
0x4f: {  	[sflag:s30] =	ssyncset.done $0x0;
	s9 =	rddreg [dreg:$0x7]  }
0x50: {  	[sflag:s30] =	ssyncadd.s32 $0xFFFFF000;
	s9 =	sadd.s32 s7, s9  }
0x51: {  	[hbm4b:s9+s2] =	stream.linear.scatter [tilespmem:s16], [sflag:$0xB], $0x1000, $0x38;
	[tilespmem:$0xB400] =	vst v63  }
0x52: {  	_ =	swait.ge [sflag:s31], $0x1000  }
0x53: {  	[sflag:s31] =	ssyncset.done $0x0  }
0x54: {  	s9 =	sadd.s32 $0x600, s8;
	[sflag:s31] =	ssyncadd.s32 $0xFFFFF000  }
0x55: {  	[hbm4b:s9+s2] =	stream.linear.scatter [tilespmem:s18], [sflag:$0xC], $0x1000, $0x38;
	[tilespmem:$0xB400] =	vst v63  }
0x56: {  	_ =	swait.ge [sflag:s1], $0x1000  }
0x57: {  	[sflag:s1] =	ssyncset.done $0x0;
	s9 =	rddreg [dreg:$0x6]  }
0x58: {  	[sflag:s1] =	ssyncadd.s32 $0xFFFFF000;
	s9 =	sadd.s32 s7, s9  }
0x59: {  	[hbm4b:s9+s2] =	stream.linear.scatter [tilespmem:s20], [sflag:$0xD], $0x1000, $0x38;
	[tilespmem:$0xB400] =	vst v63  }
0x5a: {  	_ =	swait.ge [sflag:s0], $0x1000  }
0x5b: {  	[sflag:s0] =	ssyncset.done $0x0  }
0x5c: {  	s9 =	sadd.s32 $0xA00, s8;
	[sflag:s0] =	ssyncadd.s32 $0xFFFFF000  }
0x5d: {  	[hbm4b:s9+s2] =	stream.linear.scatter [tilespmem:s22], [sflag:$0xE], $0x1000, $0x38;
	[tilespmem:$0xB400] =	vst v63  }
0x5e: {  	_ =	swait.ge [sflag:s15], $0x1000  }
0x5f: {  	[sflag:s15] =	ssyncset.done $0x0;
	s9 =	rddreg [dreg:$0x5]  }
0x60: {  	[sflag:s15] =	ssyncadd.s32 $0xFFFFF000;
	s9 =	sadd.s32 s7, s9  }
0x61: {  	[hbm4b:s9+s2] =	stream.linear.scatter [tilespmem:s24], [sflag:$0xF], $0x1000, $0x38;
	[tilespmem:$0xB400] =	vst v63  }
0x62: {  	_ =	swait.ge [sflag:s17], $0x1000  }
0x63: {  	p0 =	seq.s32 s7, $0xC000;
	[sflag:s17] =	ssyncset.done $0x0  }
.Ltmp2:
0x64: {  	s8 =	sadd.s32 $0xE00, s8;
	[sflag:s17] =	ssyncadd.s32 $0xFFFFF000;
	(pc) =	sbr.rel @p0 .LBB2_4-.Ltmp2, $4  }
0x65: {  	[hbm4b:s8+s2] =	stream.linear.scatter [tilespmem:s26], [sflag:$0x10], $0x1000, $0x38;
	[tilespmem:$0xB400] =	vst v63  }
0x66: {  	_ =	swait.ge [sflag:s19], $0x1000  }
0x67: {  	[sflag:s19] =	ssyncset.done $0x0  }
0x68: {  	[sflag:s19] =	ssyncadd.s32 $0xFFFFF000  }
0x69: {  	s8 =	sshra.s32 s7, $0x2  }
0x6a: {  	s9 =	sadd.s32 $0x400, s8  }
0x6b: {  	[tilespmem:s13], [sflag:$0x1] =	stream.indirect.gather [hbm4b:s3+s12], $0x20, s9, s12, $0xb8;
	[tilespmem:$0xB400] =	vst v63  }
0x6c: {  	_ =	swait.ge [sflag:s21], $0x1000  }
0x6d: {  	[sflag:s21] =	ssyncset.done $0x0  }
0x6e: {  	s9 =	sadd.s32 $0x480, s8;
	[sflag:s21] =	ssyncadd.s32 $0xFFFFF000  }
0x6f: {  	[tilespmem:s14], [sflag:$0x2] =	stream.indirect.gather [hbm4b:s3+s12], $0x20, s9, s12, $0xb8;
	[tilespmem:$0xB400] =	vst v63  }
0x70: {  	_ =	swait.ge [sflag:s23], $0x1000  }
0x71: {  	[sflag:s23] =	ssyncset.done $0x0  }
0x72: {  	s9 =	sadd.s32 $0x500, s8;
	[sflag:s23] =	ssyncadd.s32 $0xFFFFF000  }
0x73: {  	[tilespmem:s16], [sflag:$0x3] =	stream.indirect.gather [hbm4b:s3+s12], $0x20, s9, s12, $0xb8;
	[tilespmem:$0xB400] =	vst v63  }
0x74: {  	_ =	swait.ge [sflag:s25], $0x1000  }
0x75: {  	[sflag:s25] =	ssyncset.done $0x0  }
0x76: {  	s9 =	sadd.s32 $0x580, s8;
	[sflag:s25] =	ssyncadd.s32 $0xFFFFF000  }
0x77: {  	[tilespmem:s18], [sflag:$0x4] =	stream.indirect.gather [hbm4b:s3+s12], $0x20, s9, s12, $0xb8;
	[tilespmem:$0xB400] =	vst v63  }
0x78: {  	_ =	swait.ge [sflag:s4], $0x1000  }
0x79: {  	[sflag:s4] =	ssyncset.done $0x0  }
0x7a: {  	s9 =	sadd.s32 $0x600, s8;
	[sflag:s4] =	ssyncadd.s32 $0xFFFFF000  }
0x7b: {  	[tilespmem:s20], [sflag:$0x5] =	stream.indirect.gather [hbm4b:s3+s12], $0x20, s9, s12, $0xb8;
	[tilespmem:$0xB400] =	vst v63  }
0x7c: {  	_ =	swait.ge [sflag:s6], $0x1000  }
0x7d: {  	[sflag:s6] =	ssyncset.done $0x0  }
0x7e: {  	s9 =	sadd.s32 $0x680, s8;
	[sflag:s6] =	ssyncadd.s32 $0xFFFFF000  }
0x7f: {  	[tilespmem:s22], [sflag:$0x6] =	stream.indirect.gather [hbm4b:s3+s12], $0x20, s9, s12, $0xb8;
	[tilespmem:$0xB400] =	vst v63  }
0x80: {  	_ =	swait.ge [sflag:s11], $0x1000  }
0x81: {  	[sflag:s11] =	ssyncset.done $0x0  }
0x82: {  	s9 =	sadd.s32 $0x700, s8;
	[sflag:s11] =	ssyncadd.s32 $0xFFFFF000  }
0x83: {  	[tilespmem:s24], [sflag:$0x7] =	stream.indirect.gather [hbm4b:s3+s12], $0x20, s9, s12, $0xb8;
	[tilespmem:$0xB400] =	vst v63  }
.Ltmp3:
0x84: {  	_ = 	snop;
	(pc) =	sbr.rel .LBB2_2-.Ltmp3, $4  }
0x85: {  	_ =	swait.ge [sflag:s5], $0x1000  }
0x86: {  	[sflag:s5] =	ssyncset.done $0x0  }
0x87: {  	s7 =	sadd.s32 $0x1000, s7;
	s8 =	sadd.s32 $0x780, s8;
	[sflag:s5] =	ssyncadd.s32 $0xFFFFF000  }
0x88: {  	[tilespmem:s26], [sflag:$0x8] =	stream.indirect.gather [hbm4b:s3+s12], $0x20, s8, s12, $0xb8;
	[tilespmem:$0xB400] =	vst v63  }
.LBB2_5:
0x89: {  	_ =	sfence.sel $0x180000  }
0x8a: {  	[bflag:$0x0] =	sbarrier.arrive $0xFFFF  }
0x8b: {  	_ =	strace $0x90000047  }
0x8c: {  	s0 =	stileid.u32;
	[bflag:$0x2] =	sbarrier.arrive $0xFFFF  }
0x8d: {  	p0 =	sne.s32 s0, $0x0;
	s0 =	rddreg [dreg:$0x2]  }
0x8e: {  	s0 =	sadd.s32 @!p0 $0x100000, s0  }
0x8f: {  	[sflag:s0] =	ssyncadd.tile.s32 @!p0 $0x1;
	_ =	shalt  }
.Lfunc_end2:
_tile_overlayer_lowered:
.L_overlay_start_2:
0x90: {  	(tag) =	ssettag $0x2  }
0x91: {  	s0 =	rddreg [dreg:$0x0];
	s2 =	stileid.u32  }
0x92: {  	s1 =	rddreg [dreg:$0x1];
	p0 =	sne.s32 s2, $0x0  }
0x93: {  	s3 =	rddreg [dreg:$0x2];
	[bflag:$0x3] =	sbarrier.arrive $0xFFFF;
	s2 =	simm.s32 @!p0 $0x1C11  }
0x94: {  	[timem:s3], [sflag:s2] =	dma.local @!p0 [hbm:s0], s1  }
0x95: {  	s0 =	simm.s32 @!p0 $0x11  }
0x96: {  	_ =	swait.ge @!p0 [sflag:s0], s1  }
0x97: {  	s1 =	ssub.s32 @!p0 $0x0, s1;
	[sflag:s0] =	ssyncset.done @!p0 $0x0  }
0x98: {  	[sflag:s0] =	ssyncadd.s32 @!p0 s1  }
0x99: {  	[bflag:$0x3] =	sbarrier.arrive $0xFFFF  }
0x9a: {  	_ =	shalt  }

// kernel: sparse-core-data-format-call.cloned.1.call-start
scs
called_computation_lowered:
.L_overlay_start_0:
0x0: {  	s2 =	sld [smem:$0x3FD9]  }
0x1: {  	s3 =	sld [smem:$0x3FFE];
	_ =	sdelay $0x1  }
0x2: {  	s1 =	srdreg.scid  }
0x3: {  	s0 =	sand.u32 $0x1, s1  }
0x4: {  	s18 =	sshll.u32 s0, $0xA;
	s2 =	sadd.s32 s3, s2  }
0x5: {  	s2 =	sadd.s32 s2, s18  }
0x6: {  	[smem:$0x3FC6] =	sst s2  }
0x7: {  	_ = 	snop  }
0x8: {  	s2 =	sld [smem:$0x3FD0];
	(tm) =	ssettm $0x1  }
0x9: {  	s19 =	sld [smem:$0x3FFB];
	_ =	sdelay $0x3  }
0xa: {  	_ =	strace s19  }
0xb: {  	s3 =	sld [smem:$0x3FFC];
	_ =	sdelay $0x3  }
0xc: {  	_ =	strace s3  }
0xd: {  	s3 =	sld [smem:$0x3FFD];
	_ =	sdelay $0x3  }
0xe: {  	_ =	strace s3  }
0xf: {  	_ =	strace $0x8FFFFFFF  }
0x10: {  	s20 =	sld [smem:$0x3FDB];
	_ =	sdelay $0x1  }
0x11: {  	s4 =	simm.s32 $_scs_section_size  }
0x12: {  	s5 =	simm.s32 $_size__tile_overlayer_lowered;
	s6 =	simm.s32 $_tile_overlayer_lowered  }
0x13: {  	s23 =	simm.s32 $0x1BFF;
	s22 =	sshll.u32 s6, $0x1;
	s3 =	sadd.s32 s4, s20  }
0x14: {  	s7 =	simm.s32 $0x0;
	s21 =	sshll.u32 s5, $0x1;
	s5 =	sadd.s32 s22, s3  }
0x15: {  	[timem:s7], [sflag:s23] =	dma.local [hbm:s5], s21  }
0x16: {  	_ =	swait.ge [sflag:s23], s21  }
0x17: {  	s4 =	ssub.s32 $0x0, s21;
	[sflag:s23] =	ssyncset.done $0x0  }
0x18: {  	[sflag:s23] =	ssyncadd.s32 s4;
	_ =	sdelay $0x1  }
0x19: {  	s24 =	simm.s32 $0x1B8B  }
0x1a: {  	_ =	swait.ge [sflag:s24], $0x1  }
0x1b: {  	[sflag:s24] =	ssyncset.done $0x0  }
0x1c: {  	s26 =	simm.s32 $0x1B8E;
	s25 =	sld [smem:$0x3FFE];
	[sflag:s24] =	ssyncadd.s32 $0xFFFFFFFF  }
0x1d: {  	s27 =	simm.s32 $execute0_lowered;
	[smem:$0x3FD2] =	sst s26  }
0x1e: {  	s5 =	sshll.u32 s27, $0x1;
	_ =	strace $0x80000049;
	[dreg:$0x1] =	wrdreg $0xFFFFFFFF  }
0x1f: {  	s28 =	simm.s32 $_size_execute0_lowered;
	s3 =	sadd.s32 s3, s5;
	[dreg:$0x0] =	wrdreg $0x0  }
0x20: {  	s5 =	sshll.u32 s28, $0x1;
	[dreg:$0x2] =	wrdreg s3  }
0x21: {  	[dreg:$0x3] =	wrdreg s5  }
0x22: {  	[dreg:$0x4] =	wrdreg $0xC0  }
0x23: {  	_ =	task [dreg:s7], $0x5FFFF  }
0x24: {  	[dreg:$0x1] =	wrdreg $0xFFFFFFFF  }
0x25: {  	[dreg:$0x0] =	wrdreg $0x60  }
0x26: {  	[dreg:$0x2] =	wrdreg s25  }
0x27: {  	[dreg:$0x3] =	wrdreg s2  }
0x28: {  	[dreg:$0x4] =	wrdreg $0x9  }
0x29: {  	_ =	task.clear_ibuf [dreg:s7], $0x5FFFF;
	_ =	strace $0x90000049  }
0x2a: {  	s29 =	simm.s32 $0x9;
	_ =	strace $0x8000004B  }
0x2b: {  	_ =	swait.ge [sflag:s29], $0x1  }
0x2c: {  	[sflag:s29] =	ssyncadd.s32 $0xFFFFFFFF  }
0x2d: {  	_ =	strace $0x9000004B  }
0x2e: {  	_ =	sfence  }
0x2f: {  	s30 =	sld [smem:$0x0];
	_ =	sdelay $0x2  }
0x30: {  	s31 =	sshll.u32 s1, $0xD;
	s1 =	sshrl.u32 s1, $0x2  }
0x31: {  	s3 =	sand.u32 $0x4000, s31;
	s1 =	sadd.s32 s1, s30  }
0x32: {  	s0 =	sor.u32 s3, s0;
	s1 =	sshll.u32 s1, $0x11  }
0x33: {  	s0 =	sor.u32 s1, s0  }
0x34: {  	s0 =	sadd.s32 $0x8F2B, s0  }
0x35: {  	[sflag:s0] =	ssyncadd.remote.s32 $0x1  }
0x36: {  	_ =	sfence.sel $0xFFFF  }
0x37: {  	[dreg:$0x0] =	wrdreg $0xFFFFFFFF;
	(pc) =	sbr.abs _section_cstart, $3  }
0x38: {  	[dreg:$0x1] =	wrdreg $0xFFFFFFFF  }
0x39: {  	_ =	task.clear_ibuf [dreg:s7], $0x2FFFF;
	_ =	strace $0x9FFFFFFF  }
0x3a: {  	(tm) =	ssettm $0x7FFFFFFF  }
0x3b: {  	_ =	shalt  }
tec
execute0_lowered:
.L_overlay_start_1:
0x0: {  	(tag) =	ssettag $0x1  }
0x1: {  	s0 =	srdreg.scid  }
0x2: {  	s1 =	sshll.u32 s0, $0x4  }
0x3: {  	s0 =	stileid.u32;
	s1 =	sand.u32 $0x10, s1  }
0x4: {  	s1 =	sor.u32 s0, s1  }
0x5: {  	s6 =	rddreg [dreg:$0x0];
	s4 =	simm.s32 $0x1;
	s2 =	sshll.u32 s1, $0x7  }
0x6: {  	s7 =	simm.s32 $0x2;
	s12 =	simm.s32 $0x0;
	s1 =	ssub.s32 $0x4000, s2  }
0x7: {  	s8 =	simm.s32 $0x20000;
	s13 =	simm.s32 $0x0;
	s3 =	sand.u32 $0xF80, s1  }
0x8: {  	s9 =	simm.s32 $0x0;
	s5 =	sshrl.u32 s1, $0xC;
	p0 =	sne.s32 s3, $0x0  }
.Ltmp0:
0x9: {  	s1 =	rddreg [dreg:$0x2];
	s4 =	simm.s32 @!p0 $0x0;
	(pc) =	sbr.rel .LBB1_1-.Ltmp0, $4  }
0xa: {  	s11 =	simm.s32 $0x0;
	s3 =	rddreg [dreg:$0x1];
	s5 =	sadd.s32 s4, s5  }
0xb: {  	_ =	strace $0x8000004A;
	s4 =	simm.s32 $0x1;
	s5 =	smul.u32 $0x1A, s5  }
0xc: {  	s6 =	sadd.s32 $0x800, s6;
	s10 =	smov.u32 s2;
	[sflag:s4] =	ssyncpa.u1 $0x0  }
0xd: {  	p0 =	por $0x0, $0x0;
	[sflag:s7] =	ssyncpa.u1 $0x0;
	s7 =	sor.u32 $0x1, s5  }
.LBB1_4:
0xe: {  	s16 =	sshll.u32 s13, $0x3;
	s17 =	sand.u32 $0x78, s13  }
0xf: {  	s30 =	sand.u32 $0xF800, s13;
	s12 =	sshll.u32 s12, $0x10;
	s16 =	sand.u32 $0x3C00, s16  }
0x10: {  	s31 =	sand.u32 $0x7, s13;
	s16 =	sor.u32 s17, s16;
	s17 =	sadd.s32 s3, s30  }
0x11: {  	s13 =	sshll.u32 s31, $0x12;
	s16 =	sshrl.u32 s16, $0x3;
	s12 =	sadd.s32 s12, s17  }
0x12: {  	[tilespmem:s15+$0x0 ss:$0x81] =	vst.msk $0xffff, v0;
	s13 =	sor.u32 $0x400, s13;
	s12 =	sadd.s32 s16, s12  }
0x13: {  	[hbm4b:s12+s13] =	stream.strided.scatter [tilespmem:s14], [sflag:$0x2], $0x1000, s8, s13, $0x20;
	[tilespmem:$0x4040] =	vst v63  }
.LBB1_5:
0x14: {  	s14 =	sadd.s32 $0x1, s9  }
0x15: {  	s12 =	sadd.s32 $0x1000, s10;
	s16 =	smov.u32 s10;
	p2 =	sgt.s32 s14, $0x19  }
0x16: {  	s16 =	smov.u32 @p2 s12  }
0x17: {  	s14 =	simm.s32 @p2 $0x0;
	p2 =	sgt.s32 s16, $0x3FFF  }
0x18: {  	s16 =	smov.u32 @p2 s2;
	p2 =	sne.s32 s11, s7  }
.Ltmp1:
0x19: {  	p1 =	slt.u32 s11, $0x2;
	(pc) =	sbr.rel @!p2 .LBB1_6-.Ltmp1, $4  }
0x1a: {  	s15 =	simm.s32 @!p1 $0x2  }
0x1b: {  	s13 =	smov.u32 s10;
	p0 =	por !p0, !p0;
	_ =	swait.ge @!p1 [sflag:s15], $0x1000  }
0x1c: {  	s12 =	smov.u32 s9;
	[sflag:s15] =	ssyncset.done @!p1 $0x0;
	s9 =	smov.u32 s14  }
0x1d: {  	s11 =	sadd.s32 $0x1, s11;
	[sflag:s15] =	ssyncadd.s32 @!p1 $0xFFFFF000;
	s10 =	smov.u32 s16  }
.LBB1_1:
0x1e: {  	p1 =	sge.u32 s11, s5  }
0x1f: {  	s31 =	sadd.s32 $0xFFFFFFFF, s11;
	s14 =	sxor.u32 @!p1 $0xFFFFFFFF, s11  }
0x20: {  	s15 =	sshll.u32 @!p1 s10, $0x9;
	s16 =	sshll.u32 @!p1 s9, $0x4;
	s17 =	simm.s32 @!p1 $0x1000  }
0x21: {  	s14 =	sshll.u32 @!p1 s14, $0xC;
	s16 =	sand.u32 @!p1 $0x1F0, s16;
	s15 =	sadd.s32 @!p1 s6, s15  }
0x22: {  	s14 =	sand.u32 @!p1 $0x1000, s14;
	s15 =	sadd.s32 @!p1 s16, s15;
	s16 =	simm.s32 @!p1 $0x20  }
0x23: {  	[tilespmem:s14], [sflag:$0x1] =	stream.strided.gather @!p1 [hbm4b:s15+s16], $0x1000, s17, s16, $0x38;
	[tilespmem:$0x4040] =	vst v63  }
0x24: {  	p1 =	sge.u32 s31, s5  }
.Ltmp2:
0x25: {  	_ = 	snop;
	(pc) =	sbr.rel @p1 .LBB1_5-.Ltmp2, $1  }
0x26: {  	_ =	sdelay $0x3  }
0x27: {  	s14 =	simm.s32 $0x1  }
0x28: {  	_ =	swait.ge [sflag:s4], $0x1000;
	s14 =	simm.s32 @!p0 $0x0  }
0x29: {  	[sflag:s4] =	ssyncset.done $0x0;
	s15 =	sshll.u32 s14, $0xC  }
0x2a: {  	[sflag:s4] =	ssyncadd.s32 $0xFFFFF000;
	s18 =	sor.u32 $0x10, s15  }
0x2b: {  	s14 =	smul.u32 $0x4080, s14;
	v1 =	vld [tilespmem:s18+$0x0]  }
0x2c: {  	s30 =	sand.u32 $0x1, s11;
	v0 =	vld [tilespmem:s18+$0xFFFFFFF0]  }
0x2d: {  	s15 =	smul.u32 $0x4080, s30;
	s14 =	sshrl.u32 s14, $0x2  }
0x2e: {  	s16 =	sor.u32 $0x2000, s14  }
0x2f: {  	s31 =	sshrl.u32 s15, $0x2;
	s15 =	sadd.s32 $0x0, s16  }
0x30: {  	s17 =	simm.s32 $0x4;
	s18 =	sadd.s32 $0x20, s18;
	s14 =	sor.u32 $0x2000, s31;
	[tilespmem:s15+$0x810 ss:$0x81] =	vst.msk $0xffff, v1  }
.LBB1_3:
0x31: {  	v1 =	vld [tilespmem:s18+$0x0];
	p1 =	sne.s32 s17, $0x1FC;
	[tilespmem:s15+$0x0 ss:$0x81] =	vst.msk $0xffff, v0;
	s15 =	smov.u32 s17;
	s17 =	sadd.s32 $0x4, s17  }
.Ltmp3:
0x32: {  	v0 =	vld [tilespmem:s18+$0xFFFFFFF0];
	(pc) =	sbr.rel @p1 .LBB1_3-.Ltmp3, $4  }
0x33: {  	_ = 	snop  }
0x34: {  	s15 =	sshra.s32 s15, $0x2  }
0x35: {  	s15 =	sadd.s32 s15, s16  }
0x36: {  	s18 =	sadd.s32 $0x20, s18;
	[tilespmem:s15+$0x810 ss:$0x81] =	vst.msk $0xffff, v1  }
.Ltmp4:
0x37: {  	_ = 	snop;
	(pc) =	sbr.rel .LBB1_4-.Ltmp4, $1  }
0x38: {  	_ =	sdelay $0x3  }
.LBB1_6:
0x39: {  	_ =	sfence.sel $0x180000  }
0x3a: {  	s2 =	simm.s32 $0x1;
	[bflag:$0x0] =	sbarrier.arrive $0xFFFF  }
0x3b: {  	s31 =	simm.s32 $0x2;
	[sflag:s2] =	ssyncpa.u1 $0x1  }
0x3c: {  	[sflag:s31] =	ssyncpa.u1 $0x1  }
0x3d: {  	p0 =	sne.s32 s0, $0x0;
	_ =	strace $0x9000004A  }
0x3e: {  	s0 =	sadd.s32 @!p0 $0x100000, s1;
	[bflag:$0x2] =	sbarrier.arrive $0xFFFF  }
0x3f: {  	[sflag:s0] =	ssyncadd.tile.s32 @!p0 $0x1;
	_ =	shalt  }
.Lfunc_end1:
_tile_overlayer_lowered:
.L_overlay_start_2:
0x40: {  	(tag) =	ssettag $0x2  }
0x41: {  	s0 =	rddreg [dreg:$0x0];
	s2 =	stileid.u32  }
0x42: {  	s1 =	rddreg [dreg:$0x1];
	p0 =	sne.s32 s2, $0x0  }
0x43: {  	s3 =	rddreg [dreg:$0x2];
	[bflag:$0x3] =	sbarrier.arrive $0xFFFF;
	s2 =	simm.s32 @!p0 $0x1C01  }
0x44: {  	[timem:s3], [sflag:s2] =	dma.local @!p0 [hbm:s0], s1  }
0x45: {  	s0 =	simm.s32 @!p0 $0x1  }
0x46: {  	_ =	swait.ge @!p0 [sflag:s0], s1  }
0x47: {  	s1 =	ssub.s32 @!p0 $0x0, s1;
	[sflag:s0] =	ssyncset.done @!p0 $0x0  }
0x48: {  	[sflag:s0] =	ssyncadd.s32 @!p0 s1  }
0x49: {  	[bflag:$0x3] =	sbarrier.arrive $0xFFFF  }
0x4a: {  	_ =	shalt  }

</sc_bundles>
